<compile_context>
chip_gen: v7x
topology: tpu7x:2x2x1
jax: 0.10.2.dev20260603
libtpu: 0.0.44.dev20260713+nightly
codegen_flags: <defaults>
</compile_context>

<pallas_src>
import functools

import jax
import jax.numpy as jnp
from jax import lax
from jax.experimental import pallas as pl
from jax.experimental.pallas import tpu as pltpu
from jax.experimental.pallas import tpu_sc as plsc

NUM_GRAPHS = 256
N_NODES = 10000
N_EDGES = 320000
D_FEAT = 128

NC = 2
NS = 16
NW = NC * NS
E_W = N_EDGES // NW
C = 80
NR = 5
NG = E_W // (C * NR)
NCHUNK = NG * NR

_mesh = plsc.VectorSubcoreMesh(core_axis_name="c", subcore_axis_name="s")


@functools.partial(
    pl.kernel,
    mesh=_mesh,
    out_type=jax.ShapeDtypeStruct((N_EDGES, D_FEAT), jnp.float32),
    scratch_types=[
        pltpu.VMEM_SHARED((NUM_GRAPHS, D_FEAT), jnp.float32),
        pltpu.VMEM_SHARED((N_NODES,), jnp.int32),
        pltpu.VMEM((E_W,), jnp.int32),
        pltpu.VMEM((E_W,), jnp.int32),
        pltpu.VMEM((NR, C, D_FEAT), jnp.float32),
        pltpu.SemaphoreType.DMA,
    ] + [pltpu.SemaphoreType.DMA] * (3 * NR),
)
def _unpool(gf_hbm, batch_hbm, esrc_hbm, out_hbm,
            gf_sh, batch_sh, idx_full, eb_full, rows, sem_st, *sems):
    sem_a = sems[:NR]
    sem_gr = sems[NR:2 * NR]
    sem_o = sems[2 * NR:]
    sid = lax.axis_index("s")
    wid = sid * NC + lax.axis_index("c")
    base = wid * E_W

    @pl.when(sid == 0)
    def _stage():
        pltpu.async_copy(gf_hbm, gf_sh, sem_st)
        pltpu.async_copy(batch_hbm, batch_sh, sem_st)

    pltpu.async_copy(esrc_hbm.at[pl.ds(base, E_W)], idx_full, sem_o[0])

    @pl.when(sid == 0)
    def _stage_wait():
        pltpu.make_async_copy(gf_hbm, gf_sh, sem_st).wait()
        pltpu.make_async_copy(batch_hbm, batch_sh, sem_st).wait()

    pltpu.make_async_copy(esrc_hbm.at[pl.ds(base, E_W)], idx_full,
                          sem_o[0]).wait()
    plsc.subcore_barrier()

    def fire_a(c, r):
        lo = c * C
        pltpu.async_copy(batch_sh.at[idx_full.at[pl.ds(lo, C)]],
                         eb_full.at[pl.ds(lo, C)], sem_a[r])

    def drain_a(c, r):
        lo = c * C
        pltpu.make_async_copy(batch_sh.at[idx_full.at[pl.ds(lo, C)]],
                              eb_full.at[pl.ds(lo, C)], sem_a[r]).wait()

    def fire_g(c, r):
        lo = c * C
        pltpu.async_copy(gf_sh.at[eb_full.at[pl.ds(lo, C)]],
                         rows.at[r], sem_gr[r])

    def drain_g(c, r):
        lo = c * C
        pltpu.make_async_copy(gf_sh.at[eb_full.at[pl.ds(lo, C)]],
                              rows.at[r], sem_gr[r]).wait()

    def fire_o(c, r):
        off = base + c * C
        pltpu.async_copy(rows.at[r], out_hbm.at[pl.ds(off, C)], sem_o[r])

    def drain_o(c, r):
        off = base + c * C
        pltpu.make_async_copy(rows.at[r], out_hbm.at[pl.ds(off, C)],
                              sem_o[r]).wait()

    for r in range(NR):
        fire_a(r, r)
    for r in range(NR):
        drain_a(r, r)
        fire_a(r + NR, r)
        fire_g(r, r)
        if r >= 3:
            drain_g(r - 3, r - 3)
            fire_o(r - 3, r - 3)

    def body(g, carry):
        for r in range(NR):
            c = g * NR + r
            drain_a(c, r)
            fire_a(c + NR, r)
            drain_o(c - NR, r)
            fire_g(c, r)
            drain_g(c - 3, (r - 3) % NR)
            fire_o(c - 3, (r - 3) % NR)
        return carry

    lax.fori_loop(1, NG - 1, body, 0)

    for r in range(NR):
        c = (NG - 1) * NR + r
        drain_a(c, r)
        drain_o(c - NR, r)
        fire_g(c, r)
        drain_g(c - 3, (r - 3) % NR)
        fire_o(c - 3, (r - 3) % NR)
    for c in (NCHUNK - 3, NCHUNK - 2, NCHUNK - 1):
        drain_g(c, c % NR)
        fire_o(c, c % NR)
    for r in range(NR):
        drain_o(NCHUNK - NR + r, r)


def kernel(graph_feat, batch, edge_index):
    edge_src = edge_index[0]
    return _unpool(graph_feat, batch, edge_src)

# --- scband reference (transcript-rebuilt; emitter-appended) ---
"""Pipeline reference for scband-edge-unpooler-10582799417465 (READ-ONLY COPY).

The authoritative reference and input builder live on the scoring server;
editing this copy changes nothing except your own understanding.
"""

import jax, jax.numpy as jnp
import numpy as np

NUM_GRAPHS = 256
N_NODES = 10000
N_EDGES = 320000
D_FEAT = 128


def setup_inputs(seed: int = 0) -> dict:
    key = jax.random.key(seed)
    k1, k2, k3 = jax.random.split(key, 3)
    graph_feat = jax.random.normal(k1, (NUM_GRAPHS, D_FEAT), dtype=jnp.float32)
    batch = jnp.sort(jax.random.randint(k2, (N_NODES,), 0, NUM_GRAPHS))
    edge_index = jax.random.randint(k3, (2, N_EDGES), 0, N_NODES)
    return {"graph_feat": graph_feat, "batch": batch, "edge_index": edge_index}


def reference(graph_feat, batch, edge_index):
    # edge_batch = batch.batch[batch.edge_index[0]]
    edge_batch = jnp.take(batch, edge_index[0], axis=0)
    # edge_feat_unpooled = graph_feat[edge_batch]
    edge_feat_unpooled = jnp.take(graph_feat, edge_batch, axis=0)
    return edge_feat_unpooled

if __name__ == "__main__":
    import jax
    _d = setup_inputs()
    print(jax.jit(kernel)(*tuple(_d.values())))

</pallas_src>

<mosaic_0001>
#map = affine_map<(d0, d1) -> (0, 0)>
#map1 = affine_map<(d0, d1) -> (0)>
module attributes {stable_mosaic.version = 14 : i64} {
  func.func @_unpool(%arg0: i32, %arg1: i32, %arg2: memref<256x128xf32, #tpu.memory_space<hbm>>, %arg3: memref<10000xi32, #tpu.memory_space<hbm>>, %arg4: memref<320000xi32, #tpu.memory_space<hbm>>, %arg5: memref<320000x128xf32, #tpu.memory_space<hbm>>, %arg6: memref<256x128xf32, #tpu.memory_space<vmem_shared>>, %arg7: memref<10000xi32, #tpu.memory_space<vmem_shared>>, %arg8: memref<10000xi32, #tpu.memory_space<vmem>>, %arg9: memref<10000xi32, #tpu.memory_space<vmem>>, %arg10: memref<5x80x128xf32, #tpu.memory_space<vmem>>, %arg11: memref<!tpu.dma_semaphore, #tpu.memory_space<semaphore_mem>>, %arg12: memref<!tpu.dma_semaphore, #tpu.memory_space<semaphore_mem>>, %arg13: memref<!tpu.dma_semaphore, #tpu.memory_space<semaphore_mem>>, %arg14: memref<!tpu.dma_semaphore, #tpu.memory_space<semaphore_mem>>, %arg15: memref<!tpu.dma_semaphore, #tpu.memory_space<semaphore_mem>>, %arg16: memref<!tpu.dma_semaphore, #tpu.memory_space<semaphore_mem>>, %arg17: memref<!tpu.dma_semaphore, #tpu.memory_space<semaphore_mem>>, %arg18: memref<!tpu.dma_semaphore, #tpu.memory_space<semaphore_mem>>, %arg19: memref<!tpu.dma_semaphore, #tpu.memory_space<semaphore_mem>>, %arg20: memref<!tpu.dma_semaphore, #tpu.memory_space<semaphore_mem>>, %arg21: memref<!tpu.dma_semaphore, #tpu.memory_space<semaphore_mem>>, %arg22: memref<!tpu.dma_semaphore, #tpu.memory_space<semaphore_mem>>, %arg23: memref<!tpu.dma_semaphore, #tpu.memory_space<semaphore_mem>>, %arg24: memref<!tpu.dma_semaphore, #tpu.memory_space<semaphore_mem>>, %arg25: memref<!tpu.dma_semaphore, #tpu.memory_space<semaphore_mem>>, %arg26: memref<!tpu.dma_semaphore, #tpu.memory_space<semaphore_mem>>) attributes {dimension_semantics = [#tpu.dimension_semantics<core_parallel>, #tpu.dimension_semantics<subcore_parallel>], iteration_bounds = array<i64: 2, 16>, scalar_prefetch = 0 : i64, scratch_operands = 21 : i64, tpu.core_type = #tpu.core_type<sc_vector_subcore>, window_params = [{transform_indices = #map}, {transform_indices = #map1}, {transform_indices = #map1}, {transform_indices = #map}]} {
    %mul3A = arith.constant 2 : i32
    %mul3A_0 = arith.muli %arg1, %mul3A : i32
    %add3A = arith.addi %mul3A_0, %arg0 : i32
    %mul3A_1 = arith.constant 10000 : i32
    %mul3A_2 = arith.muli %add3A, %mul3A_1 : i32
    %eq3A = arith.constant 0 : i32
    %eq3A_3 = arith.cmpi eq, %arg1, %eq3A : i32
    %convert_element_type3A = arith.extui %eq3A_3 : i1 to i32
    %cond3A = arith.constant 0 : i32
    %cond3A_4 = arith.cmpi ne, %convert_element_type3A, %cond3A : i32
    scf.if %cond3A_4 {
      tpu.enqueue_dma source(%arg2 : memref<256x128xf32, #tpu.memory_space<hbm>>) target(%arg6 : memref<256x128xf32, #tpu.memory_space<vmem_shared>>) target_semaphore(%arg11 : memref<!tpu.dma_semaphore, #tpu.memory_space<semaphore_mem>>)
      tpu.enqueue_dma source(%arg3 : memref<10000xi32, #tpu.memory_space<hbm>>) target(%arg7 : memref<10000xi32, #tpu.memory_space<vmem_shared>>) target_semaphore(%arg11 : memref<!tpu.dma_semaphore, #tpu.memory_space<semaphore_mem>>)
    } else {
    }
    %dma_start3A = tpu.memref_slice %arg4[%mul3A_2] : memref<320000xi32, #tpu.memory_space<hbm>> -> memref<10000xi32, #tpu.memory_space<hbm>>
    %dma_start3A_5 = tpu.memref_slice %arg4[%mul3A_2] : memref<320000xi32, #tpu.memory_space<hbm>> -> memref<10000xi32, #tpu.memory_space<hbm>>
    tpu.enqueue_dma source(%dma_start3A_5 : memref<10000xi32, #tpu.memory_space<hbm>>) target(%arg8 : memref<10000xi32, #tpu.memory_space<vmem>>) target_semaphore(%arg22 : memref<!tpu.dma_semaphore, #tpu.memory_space<semaphore_mem>>)
    %eq3A_6 = arith.constant 0 : i32
    %eq3A_7 = arith.cmpi eq, %arg1, %eq3A_6 : i32
    %convert_element_type3A_8 = arith.extui %eq3A_7 : i1 to i32
    %cond3A_9 = arith.constant 0 : i32
    %cond3A_10 = arith.cmpi ne, %convert_element_type3A_8, %cond3A_9 : i32
    scf.if %cond3A_10 {
      tpu.wait_dma2 semaphore(%arg11 : memref<!tpu.dma_semaphore, #tpu.memory_space<semaphore_mem>>) src(%arg2 : memref<256x128xf32, #tpu.memory_space<hbm>>) dst(%arg6 : memref<256x128xf32, #tpu.memory_space<vmem_shared>>)
      tpu.wait_dma2 semaphore(%arg11 : memref<!tpu.dma_semaphore, #tpu.memory_space<semaphore_mem>>) src(%arg3 : memref<10000xi32, #tpu.memory_space<hbm>>) dst(%arg7 : memref<10000xi32, #tpu.memory_space<vmem_shared>>)
    } else {
    }
    %dma_wait3A = tpu.memref_slice %arg4[%mul3A_2] : memref<320000xi32, #tpu.memory_space<hbm>> -> memref<10000xi32, #tpu.memory_space<hbm>>
    %dma_wait3A_11 = tpu.memref_slice %arg4[%mul3A_2] : memref<320000xi32, #tpu.memory_space<hbm>> -> memref<10000xi32, #tpu.memory_space<hbm>>
    tpu.wait_dma2 semaphore(%arg22 : memref<!tpu.dma_semaphore, #tpu.memory_space<semaphore_mem>>) src(%dma_wait3A_11 : memref<10000xi32, #tpu.memory_space<hbm>>) dst(%arg8 : memref<10000xi32, #tpu.memory_space<vmem>>)
    %barrier3A = arith.constant 0 : index
    tpu.barrier barrier_id(%barrier3A)
    %dma_start3A_12 = arith.constant 0 : i32
    %dma_start3A_13 = tpu.memref_slice %arg9[%dma_start3A_12] : memref<10000xi32, #tpu.memory_space<vmem>> -> memref<80xi32, #tpu.memory_space<vmem>>
    %dma_start3A_14 = arith.constant 0 : i32
    %dma_start3A_15 = tpu.memref_slice %arg8[%dma_start3A_14] : memref<10000xi32, #tpu.memory_space<vmem>> -> memref<80xi32, #tpu.memory_space<vmem>>
    %dma_start3A_16 = arith.constant 0 : i32
    %dma_start3A_17 = tpu.memref_slice %arg7[%dma_start3A_16] : memref<10000xi32, #tpu.memory_space<vmem_shared>> -> memref<10000xi32, #tpu.memory_space<vmem_shared>>
    tpu.enqueue_indirect_dma source(%dma_start3A_17 : memref<10000xi32, #tpu.memory_space<vmem_shared>>) target(%dma_start3A_13 : memref<80xi32, #tpu.memory_space<vmem>>) offsets(%dma_start3A_15 : memref<80xi32, #tpu.memory_space<vmem>>) semaphore(%arg12 : memref<!tpu.dma_semaphore, #tpu.memory_space<semaphore_mem>>)
    %dma_start3A_18 = arith.constant 80 : i32
    %dma_start3A_19 = tpu.memref_slice %arg9[%dma_start3A_18] : memref<10000xi32, #tpu.memory_space<vmem>> -> memref<80xi32, #tpu.memory_space<vmem>>
    %dma_start3A_20 = arith.constant 80 : i32
    %dma_start3A_21 = tpu.memref_slice %arg8[%dma_start3A_20] : memref<10000xi32, #tpu.memory_space<vmem>> -> memref<80xi32, #tpu.memory_space<vmem>>
    %dma_start3A_22 = arith.constant 0 : i32
    %dma_start3A_23 = tpu.memref_slice %arg7[%dma_start3A_22] : memref<10000xi32, #tpu.memory_space<vmem_shared>> -> memref<10000xi32, #tpu.memory_space<vmem_shared>>
    tpu.enqueue_indirect_dma source(%dma_start3A_23 : memref<10000xi32, #tpu.memory_space<vmem_shared>>) target(%dma_start3A_19 : memref<80xi32, #tpu.memory_space<vmem>>) offsets(%dma_start3A_21 : memref<80xi32, #tpu.memory_space<vmem>>) semaphore(%arg13 : memref<!tpu.dma_semaphore, #tpu.memory_space<semaphore_mem>>)
    %dma_start3A_24 = arith.constant 160 : i32
    %dma_start3A_25 = tpu.memref_slice %arg9[%dma_start3A_24] : memref<10000xi32, #tpu.memory_space<vmem>> -> memref<80xi32, #tpu.memory_space<vmem>>
    %dma_start3A_26 = arith.constant 160 : i32
    %dma_start3A_27 = tpu.memref_slice %arg8[%dma_start3A_26] : memref<10000xi32, #tpu.memory_space<vmem>> -> memref<80xi32, #tpu.memory_space<vmem>>
    %dma_start3A_28 = arith.constant 0 : i32
    %dma_start3A_29 = tpu.memref_slice %arg7[%dma_start3A_28] : memref<10000xi32, #tpu.memory_space<vmem_shared>> -> memref<10000xi32, #tpu.memory_space<vmem_shared>>
    tpu.enqueue_indirect_dma source(%dma_start3A_29 : memref<10000xi32, #tpu.memory_space<vmem_shared>>) target(%dma_start3A_25 : memref<80xi32, #tpu.memory_space<vmem>>) offsets(%dma_start3A_27 : memref<80xi32, #tpu.memory_space<vmem>>) semaphore(%arg14 : memref<!tpu.dma_semaphore, #tpu.memory_space<semaphore_mem>>)
    %dma_start3A_30 = arith.constant 240 : i32
    %dma_start3A_31 = tpu.memref_slice %arg9[%dma_start3A_30] : memref<10000xi32, #tpu.memory_space<vmem>> -> memref<80xi32, #tpu.memory_space<vmem>>
    %dma_start3A_32 = arith.constant 240 : i32
    %dma_start3A_33 = tpu.memref_slice %arg8[%dma_start3A_32] : memref<10000xi32, #tpu.memory_space<vmem>> -> memref<80xi32, #tpu.memory_space<vmem>>
    %dma_start3A_34 = arith.constant 0 : i32
    %dma_start3A_35 = tpu.memref_slice %arg7[%dma_start3A_34] : memref<10000xi32, #tpu.memory_space<vmem_shared>> -> memref<10000xi32, #tpu.memory_space<vmem_shared>>
    tpu.enqueue_indirect_dma source(%dma_start3A_35 : memref<10000xi32, #tpu.memory_space<vmem_shared>>) target(%dma_start3A_31 : memref<80xi32, #tpu.memory_space<vmem>>) offsets(%dma_start3A_33 : memref<80xi32, #tpu.memory_space<vmem>>) semaphore(%arg15 : memref<!tpu.dma_semaphore, #tpu.memory_space<semaphore_mem>>)
    %dma_start3A_36 = arith.constant 320 : i32
    %dma_start3A_37 = tpu.memref_slice %arg9[%dma_start3A_36] : memref<10000xi32, #tpu.memory_space<vmem>> -> memref<80xi32, #tpu.memory_space<vmem>>
    %dma_start3A_38 = arith.constant 320 : i32
    %dma_start3A_39 = tpu.memref_slice %arg8[%dma_start3A_38] : memref<10000xi32, #tpu.memory_space<vmem>> -> memref<80xi32, #tpu.memory_space<vmem>>
    %dma_start3A_40 = arith.constant 0 : i32
    %dma_start3A_41 = tpu.memref_slice %arg7[%dma_start3A_40] : memref<10000xi32, #tpu.memory_space<vmem_shared>> -> memref<10000xi32, #tpu.memory_space<vmem_shared>>
    tpu.enqueue_indirect_dma source(%dma_start3A_41 : memref<10000xi32, #tpu.memory_space<vmem_shared>>) target(%dma_start3A_37 : memref<80xi32, #tpu.memory_space<vmem>>) offsets(%dma_start3A_39 : memref<80xi32, #tpu.memory_space<vmem>>) semaphore(%arg16 : memref<!tpu.dma_semaphore, #tpu.memory_space<semaphore_mem>>)
    %dma_wait3A_42 = arith.constant 0 : i32
    %dma_wait3A_43 = tpu.memref_slice %arg9[%dma_wait3A_42] : memref<10000xi32, #tpu.memory_space<vmem>> -> memref<80xi32, #tpu.memory_space<vmem>>
    %dma_wait3A_44 = arith.constant 0 : i32
    %dma_wait3A_45 = tpu.memref_slice %arg8[%dma_wait3A_44] : memref<10000xi32, #tpu.memory_space<vmem>> -> memref<80xi32, #tpu.memory_space<vmem>>
    %dma_wait3A_46 = arith.constant 0 : i32
    %dma_wait3A_47 = tpu.memref_slice %arg7[%dma_wait3A_46] : memref<10000xi32, #tpu.memory_space<vmem_shared>> -> memref<10000xi32, #tpu.memory_space<vmem_shared>>
    tpu.wait_indirect_dma semaphore(%arg12 : memref<!tpu.dma_semaphore, #tpu.memory_space<semaphore_mem>>) src(%dma_wait3A_47 : memref<10000xi32, #tpu.memory_space<vmem_shared>>) dst(%dma_wait3A_43 : memref<80xi32, #tpu.memory_space<vmem>>)
    %dma_start3A_48 = arith.constant 400 : i32
    %dma_start3A_49 = tpu.memref_slice %arg9[%dma_start3A_48] : memref<10000xi32, #tpu.memory_space<vmem>> -> memref<80xi32, #tpu.memory_space<vmem>>
    %dma_start3A_50 = arith.constant 400 : i32
    %dma_start3A_51 = tpu.memref_slice %arg8[%dma_start3A_50] : memref<10000xi32, #tpu.memory_space<vmem>> -> memref<80xi32, #tpu.memory_space<vmem>>
    %dma_start3A_52 = arith.constant 0 : i32
    %dma_start3A_53 = tpu.memref_slice %arg7[%dma_start3A_52] : memref<10000xi32, #tpu.memory_space<vmem_shared>> -> memref<10000xi32, #tpu.memory_space<vmem_shared>>
    tpu.enqueue_indirect_dma source(%dma_start3A_53 : memref<10000xi32, #tpu.memory_space<vmem_shared>>) target(%dma_start3A_49 : memref<80xi32, #tpu.memory_space<vmem>>) offsets(%dma_start3A_51 : memref<80xi32, #tpu.memory_space<vmem>>) semaphore(%arg12 : memref<!tpu.dma_semaphore, #tpu.memory_space<semaphore_mem>>)
    %dma_start3A_54 = arith.constant 0 : i32
    %dma_start3A_55 = arith.constant 0 : i32
    %dma_start3A_56 = arith.constant 0 : i32
    %dma_start3A_57 = tpu.memref_slice %arg10[%dma_start3A_54, %dma_start3A_55, %dma_start3A_56] : memref<5x80x128xf32, #tpu.memory_space<vmem>> -> memref<1x80x128xf32, #tpu.memory_space<vmem>>
    %dma_start3A_58 = tpu.memref_squeeze %dma_start3A_57 : memref<1x80x128xf32, #tpu.memory_space<vmem>> -> memref<80x128xf32, #tpu.memory_space<vmem>>
    %dma_start3A_59 = arith.constant 0 : i32
    %dma_start3A_60 = tpu.memref_slice %arg9[%dma_start3A_59] : memref<10000xi32, #tpu.memory_space<vmem>> -> memref<80xi32, #tpu.memory_space<vmem>>
    %dma_start3A_61 = arith.constant 0 : i32
    %dma_start3A_62 = arith.constant 0 : i32
    %dma_start3A_63 = tpu.memref_slice %arg6[%dma_start3A_61, %dma_start3A_62] : memref<256x128xf32, #tpu.memory_space<vmem_shared>> -> memref<256x128xf32, #tpu.memory_space<vmem_shared>>
    tpu.enqueue_indirect_dma source(%dma_start3A_63 : memref<256x128xf32, #tpu.memory_space<vmem_shared>>) target(%dma_start3A_58 : memref<80x128xf32, #tpu.memory_space<vmem>>) offsets(%dma_start3A_60 : memref<80xi32, #tpu.memory_space<vmem>>) semaphore(%arg17 : memref<!tpu.dma_semaphore, #tpu.memory_space<semaphore_mem>>)
    %dma_wait3A_64 = arith.constant 80 : i32
    %dma_wait3A_65 = tpu.memref_slice %arg9[%dma_wait3A_64] : memref<10000xi32, #tpu.memory_space<vmem>> -> memref<80xi32, #tpu.memory_space<vmem>>
    %dma_wait3A_66 = arith.constant 80 : i32
    %dma_wait3A_67 = tpu.memref_slice %arg8[%dma_wait3A_66] : memref<10000xi32, #tpu.memory_space<vmem>> -> memref<80xi32, #tpu.memory_space<vmem>>
    %dma_wait3A_68 = arith.constant 0 : i32
    %dma_wait3A_69 = tpu.memref_slice %arg7[%dma_wait3A_68] : memref<10000xi32, #tpu.memory_space<vmem_shared>> -> memref<10000xi32, #tpu.memory_space<vmem_shared>>
    tpu.wait_indirect_dma semaphore(%arg13 : memref<!tpu.dma_semaphore, #tpu.memory_space<semaphore_mem>>) src(%dma_wait3A_69 : memref<10000xi32, #tpu.memory_space<vmem_shared>>) dst(%dma_wait3A_65 : memref<80xi32, #tpu.memory_space<vmem>>)
    %dma_start3A_70 = arith.constant 480 : i32
    %dma_start3A_71 = tpu.memref_slice %arg9[%dma_start3A_70] : memref<10000xi32, #tpu.memory_space<vmem>> -> memref<80xi32, #tpu.memory_space<vmem>>
    %dma_start3A_72 = arith.constant 480 : i32
    %dma_start3A_73 = tpu.memref_slice %arg8[%dma_start3A_72] : memref<10000xi32, #tpu.memory_space<vmem>> -> memref<80xi32, #tpu.memory_space<vmem>>
    %dma_start3A_74 = arith.constant 0 : i32
    %dma_start3A_75 = tpu.memref_slice %arg7[%dma_start3A_74] : memref<10000xi32, #tpu.memory_space<vmem_shared>> -> memref<10000xi32, #tpu.memory_space<vmem_shared>>
    tpu.enqueue_indirect_dma source(%dma_start3A_75 : memref<10000xi32, #tpu.memory_space<vmem_shared>>) target(%dma_start3A_71 : memref<80xi32, #tpu.memory_space<vmem>>) offsets(%dma_start3A_73 : memref<80xi32, #tpu.memory_space<vmem>>) semaphore(%arg13 : memref<!tpu.dma_semaphore, #tpu.memory_space<semaphore_mem>>)
    %dma_start3A_76 = arith.constant 1 : i32
    %dma_start3A_77 = arith.constant 0 : i32
    %dma_start3A_78 = arith.constant 0 : i32
    %dma_start3A_79 = tpu.memref_slice %arg10[%dma_start3A_76, %dma_start3A_77, %dma_start3A_78] : memref<5x80x128xf32, #tpu.memory_space<vmem>> -> memref<1x80x128xf32, #tpu.memory_space<vmem>>
    %dma_start3A_80 = tpu.memref_squeeze %dma_start3A_79 : memref<1x80x128xf32, #tpu.memory_space<vmem>> -> memref<80x128xf32, #tpu.memory_space<vmem>>
    %dma_start3A_81 = arith.constant 80 : i32
    %dma_start3A_82 = tpu.memref_slice %arg9[%dma_start3A_81] : memref<10000xi32, #tpu.memory_space<vmem>> -> memref<80xi32, #tpu.memory_space<vmem>>
    %dma_start3A_83 = arith.constant 0 : i32
    %dma_start3A_84 = arith.constant 0 : i32
    %dma_start3A_85 = tpu.memref_slice %arg6[%dma_start3A_83, %dma_start3A_84] : memref<256x128xf32, #tpu.memory_space<vmem_shared>> -> memref<256x128xf32, #tpu.memory_space<vmem_shared>>
    tpu.enqueue_indirect_dma source(%dma_start3A_85 : memref<256x128xf32, #tpu.memory_space<vmem_shared>>) target(%dma_start3A_80 : memref<80x128xf32, #tpu.memory_space<vmem>>) offsets(%dma_start3A_82 : memref<80xi32, #tpu.memory_space<vmem>>) semaphore(%arg18 : memref<!tpu.dma_semaphore, #tpu.memory_space<semaphore_mem>>)
    %dma_wait3A_86 = arith.constant 160 : i32
    %dma_wait3A_87 = tpu.memref_slice %arg9[%dma_wait3A_86] : memref<10000xi32, #tpu.memory_space<vmem>> -> memref<80xi32, #tpu.memory_space<vmem>>
    %dma_wait3A_88 = arith.constant 160 : i32
    %dma_wait3A_89 = tpu.memref_slice %arg8[%dma_wait3A_88] : memref<10000xi32, #tpu.memory_space<vmem>> -> memref<80xi32, #tpu.memory_space<vmem>>
    %dma_wait3A_90 = arith.constant 0 : i32
    %dma_wait3A_91 = tpu.memref_slice %arg7[%dma_wait3A_90] : memref<10000xi32, #tpu.memory_space<vmem_shared>> -> memref<10000xi32, #tpu.memory_space<vmem_shared>>
    tpu.wait_indirect_dma semaphore(%arg14 : memref<!tpu.dma_semaphore, #tpu.memory_space<semaphore_mem>>) src(%dma_wait3A_91 : memref<10000xi32, #tpu.memory_space<vmem_shared>>) dst(%dma_wait3A_87 : memref<80xi32, #tpu.memory_space<vmem>>)
    %dma_start3A_92 = arith.constant 560 : i32
    %dma_start3A_93 = tpu.memref_slice %arg9[%dma_start3A_92] : memref<10000xi32, #tpu.memory_space<vmem>> -> memref<80xi32, #tpu.memory_space<vmem>>
    %dma_start3A_94 = arith.constant 560 : i32
    %dma_start3A_95 = tpu.memref_slice %arg8[%dma_start3A_94] : memref<10000xi32, #tpu.memory_space<vmem>> -> memref<80xi32, #tpu.memory_space<vmem>>
    %dma_start3A_96 = arith.constant 0 : i32
    %dma_start3A_97 = tpu.memref_slice %arg7[%dma_start3A_96] : memref<10000xi32, #tpu.memory_space<vmem_shared>> -> memref<10000xi32, #tpu.memory_space<vmem_shared>>
    tpu.enqueue_indirect_dma source(%dma_start3A_97 : memref<10000xi32, #tpu.memory_space<vmem_shared>>) target(%dma_start3A_93 : memref<80xi32, #tpu.memory_space<vmem>>) offsets(%dma_start3A_95 : memref<80xi32, #tpu.memory_space<vmem>>) semaphore(%arg14 : memref<!tpu.dma_semaphore, #tpu.memory_space<semaphore_mem>>)
    %dma_start3A_98 = arith.constant 2 : i32
    %dma_start3A_99 = arith.constant 0 : i32
    %dma_start3A_100 = arith.constant 0 : i32
    %dma_start3A_101 = tpu.memref_slice %arg10[%dma_start3A_98, %dma_start3A_99, %dma_start3A_100] : memref<5x80x128xf32, #tpu.memory_space<vmem>> -> memref<1x80x128xf32, #tpu.memory_space<vmem>>
    %dma_start3A_102 = tpu.memref_squeeze %dma_start3A_101 : memref<1x80x128xf32, #tpu.memory_space<vmem>> -> memref<80x128xf32, #tpu.memory_space<vmem>>
    %dma_start3A_103 = arith.constant 160 : i32
    %dma_start3A_104 = tpu.memref_slice %arg9[%dma_start3A_103] : memref<10000xi32, #tpu.memory_space<vmem>> -> memref<80xi32, #tpu.memory_space<vmem>>
    %dma_start3A_105 = arith.constant 0 : i32
    %dma_start3A_106 = arith.constant 0 : i32
    %dma_start3A_107 = tpu.memref_slice %arg6[%dma_start3A_105, %dma_start3A_106] : memref<256x128xf32, #tpu.memory_space<vmem_shared>> -> memref<256x128xf32, #tpu.memory_space<vmem_shared>>
    tpu.enqueue_indirect_dma source(%dma_start3A_107 : memref<256x128xf32, #tpu.memory_space<vmem_shared>>) target(%dma_start3A_102 : memref<80x128xf32, #tpu.memory_space<vmem>>) offsets(%dma_start3A_104 : memref<80xi32, #tpu.memory_space<vmem>>) semaphore(%arg19 : memref<!tpu.dma_semaphore, #tpu.memory_space<semaphore_mem>>)
    %dma_wait3A_108 = arith.constant 240 : i32
    %dma_wait3A_109 = tpu.memref_slice %arg9[%dma_wait3A_108] : memref<10000xi32, #tpu.memory_space<vmem>> -> memref<80xi32, #tpu.memory_space<vmem>>
    %dma_wait3A_110 = arith.constant 240 : i32
    %dma_wait3A_111 = tpu.memref_slice %arg8[%dma_wait3A_110] : memref<10000xi32, #tpu.memory_space<vmem>> -> memref<80xi32, #tpu.memory_space<vmem>>
    %dma_wait3A_112 = arith.constant 0 : i32
    %dma_wait3A_113 = tpu.memref_slice %arg7[%dma_wait3A_112] : memref<10000xi32, #tpu.memory_space<vmem_shared>> -> memref<10000xi32, #tpu.memory_space<vmem_shared>>
    tpu.wait_indirect_dma semaphore(%arg15 : memref<!tpu.dma_semaphore, #tpu.memory_space<semaphore_mem>>) src(%dma_wait3A_113 : memref<10000xi32, #tpu.memory_space<vmem_shared>>) dst(%dma_wait3A_109 : memref<80xi32, #tpu.memory_space<vmem>>)
    %dma_start3A_114 = arith.constant 640 : i32
    %dma_start3A_115 = tpu.memref_slice %arg9[%dma_start3A_114] : memref<10000xi32, #tpu.memory_space<vmem>> -> memref<80xi32, #tpu.memory_space<vmem>>
    %dma_start3A_116 = arith.constant 640 : i32
    %dma_start3A_117 = tpu.memref_slice %arg8[%dma_start3A_116] : memref<10000xi32, #tpu.memory_space<vmem>> -> memref<80xi32, #tpu.memory_space<vmem>>
    %dma_start3A_118 = arith.constant 0 : i32
    %dma_start3A_119 = tpu.memref_slice %arg7[%dma_start3A_118] : memref<10000xi32, #tpu.memory_space<vmem_shared>> -> memref<10000xi32, #tpu.memory_space<vmem_shared>>
    tpu.enqueue_indirect_dma source(%dma_start3A_119 : memref<10000xi32, #tpu.memory_space<vmem_shared>>) target(%dma_start3A_115 : memref<80xi32, #tpu.memory_space<vmem>>) offsets(%dma_start3A_117 : memref<80xi32, #tpu.memory_space<vmem>>) semaphore(%arg15 : memref<!tpu.dma_semaphore, #tpu.memory_space<semaphore_mem>>)
    %dma_start3A_120 = arith.constant 3 : i32
    %dma_start3A_121 = arith.constant 0 : i32
    %dma_start3A_122 = arith.constant 0 : i32
    %dma_start3A_123 = tpu.memref_slice %arg10[%dma_start3A_120, %dma_start3A_121, %dma_start3A_122] : memref<5x80x128xf32, #tpu.memory_space<vmem>> -> memref<1x80x128xf32, #tpu.memory_space<vmem>>
    %dma_start3A_124 = tpu.memref_squeeze %dma_start3A_123 : memref<1x80x128xf32, #tpu.memory_space<vmem>> -> memref<80x128xf32, #tpu.memory_space<vmem>>
    %dma_start3A_125 = arith.constant 240 : i32
    %dma_start3A_126 = tpu.memref_slice %arg9[%dma_start3A_125] : memref<10000xi32, #tpu.memory_space<vmem>> -> memref<80xi32, #tpu.memory_space<vmem>>
    %dma_start3A_127 = arith.constant 0 : i32
    %dma_start3A_128 = arith.constant 0 : i32
    %dma_start3A_129 = tpu.memref_slice %arg6[%dma_start3A_127, %dma_start3A_128] : memref<256x128xf32, #tpu.memory_space<vmem_shared>> -> memref<256x128xf32, #tpu.memory_space<vmem_shared>>
    tpu.enqueue_indirect_dma source(%dma_start3A_129 : memref<256x128xf32, #tpu.memory_space<vmem_shared>>) target(%dma_start3A_124 : memref<80x128xf32, #tpu.memory_space<vmem>>) offsets(%dma_start3A_126 : memref<80xi32, #tpu.memory_space<vmem>>) semaphore(%arg20 : memref<!tpu.dma_semaphore, #tpu.memory_space<semaphore_mem>>)
    %dma_wait3A_130 = arith.constant 0 : i32
    %dma_wait3A_131 = arith.constant 0 : i32
    %dma_wait3A_132 = arith.constant 0 : i32
    %dma_wait3A_133 = tpu.memref_slice %arg10[%dma_wait3A_130, %dma_wait3A_131, %dma_wait3A_132] : memref<5x80x128xf32, #tpu.memory_space<vmem>> -> memref<1x80x128xf32, #tpu.memory_space<vmem>>
    %dma_wait3A_134 = tpu.memref_squeeze %dma_wait3A_133 : memref<1x80x128xf32, #tpu.memory_space<vmem>> -> memref<80x128xf32, #tpu.memory_space<vmem>>
    %dma_wait3A_135 = arith.constant 0 : i32
    %dma_wait3A_136 = tpu.memref_slice %arg9[%dma_wait3A_135] : memref<10000xi32, #tpu.memory_space<vmem>> -> memref<80xi32, #tpu.memory_space<vmem>>
    %dma_wait3A_137 = arith.constant 0 : i32
    %dma_wait3A_138 = arith.constant 0 : i32
    %dma_wait3A_139 = tpu.memref_slice %arg6[%dma_wait3A_137, %dma_wait3A_138] : memref<256x128xf32, #tpu.memory_space<vmem_shared>> -> memref<256x128xf32, #tpu.memory_space<vmem_shared>>
    tpu.wait_indirect_dma semaphore(%arg17 : memref<!tpu.dma_semaphore, #tpu.memory_space<semaphore_mem>>) src(%dma_wait3A_139 : memref<256x128xf32, #tpu.memory_space<vmem_shared>>) dst(%dma_wait3A_134 : memref<80x128xf32, #tpu.memory_space<vmem>>)
    %add3A_140 = arith.constant 0 : i32
    %add3A_141 = arith.addi %mul3A_2, %add3A_140 : i32
    %dma_start3A_142 = arith.constant 0 : i32
    %dma_start3A_143 = arith.constant 0 : i32
    %dma_start3A_144 = arith.constant 0 : i32
    %dma_start3A_145 = tpu.memref_slice %arg10[%dma_start3A_142, %dma_start3A_143, %dma_start3A_144] : memref<5x80x128xf32, #tpu.memory_space<vmem>> -> memref<1x80x128xf32, #tpu.memory_space<vmem>>
    %dma_start3A_146 = tpu.memref_squeeze %dma_start3A_145 : memref<1x80x128xf32, #tpu.memory_space<vmem>> -> memref<80x128xf32, #tpu.memory_space<vmem>>
    %dma_start3A_147 = arith.constant 0 : i32
    %dma_start3A_148 = tpu.memref_slice %arg5[%add3A_141, %dma_start3A_147] : memref<320000x128xf32, #tpu.memory_space<hbm>> -> memref<80x128xf32, #tpu.memory_space<hbm>>
    %dma_start3A_149 = arith.constant 0 : i32
    %dma_start3A_150 = tpu.memref_slice %arg5[%add3A_141, %dma_start3A_149] : memref<320000x128xf32, #tpu.memory_space<hbm>> -> memref<80x128xf32, #tpu.memory_space<hbm>>
    %dma_start3A_151 = arith.constant 0 : i32
    %dma_start3A_152 = arith.constant 0 : i32
    %dma_start3A_153 = tpu.memref_slice %arg10[%dma_start3A_142, %dma_start3A_151, %dma_start3A_152] : memref<5x80x128xf32, #tpu.memory_space<vmem>> -> memref<1x80x128xf32, #tpu.memory_space<vmem>>
    %dma_start3A_154 = tpu.memref_squeeze %dma_start3A_153 : memref<1x80x128xf32, #tpu.memory_space<vmem>> -> memref<80x128xf32, #tpu.memory_space<vmem>>
    tpu.enqueue_dma source(%dma_start3A_154 : memref<80x128xf32, #tpu.memory_space<vmem>>) target(%dma_start3A_150 : memref<80x128xf32, #tpu.memory_space<hbm>>) target_semaphore(%arg22 : memref<!tpu.dma_semaphore, #tpu.memory_space<semaphore_mem>>)
    %dma_wait3A_155 = arith.constant 320 : i32
    %dma_wait3A_156 = tpu.memref_slice %arg9[%dma_wait3A_155] : memref<10000xi32, #tpu.memory_space<vmem>> -> memref<80xi32, #tpu.memory_space<vmem>>
    %dma_wait3A_157 = arith.constant 320 : i32
    %dma_wait3A_158 = tpu.memref_slice %arg8[%dma_wait3A_157] : memref<10000xi32, #tpu.memory_space<vmem>> -> memref<80xi32, #tpu.memory_space<vmem>>
    %dma_wait3A_159 = arith.constant 0 : i32
    %dma_wait3A_160 = tpu.memref_slice %arg7[%dma_wait3A_159] : memref<10000xi32, #tpu.memory_space<vmem_shared>> -> memref<10000xi32, #tpu.memory_space<vmem_shared>>
    tpu.wait_indirect_dma semaphore(%arg16 : memref<!tpu.dma_semaphore, #tpu.memory_space<semaphore_mem>>) src(%dma_wait3A_160 : memref<10000xi32, #tpu.memory_space<vmem_shared>>) dst(%dma_wait3A_156 : memref<80xi32, #tpu.memory_space<vmem>>)
    %dma_start3A_161 = arith.constant 720 : i32
    %dma_start3A_162 = tpu.memref_slice %arg9[%dma_start3A_161] : memref<10000xi32, #tpu.memory_space<vmem>> -> memref<80xi32, #tpu.memory_space<vmem>>
    %dma_start3A_163 = arith.constant 720 : i32
    %dma_start3A_164 = tpu.memref_slice %arg8[%dma_start3A_163] : memref<10000xi32, #tpu.memory_space<vmem>> -> memref<80xi32, #tpu.memory_space<vmem>>
    %dma_start3A_165 = arith.constant 0 : i32
    %dma_start3A_166 = tpu.memref_slice %arg7[%dma_start3A_165] : memref<10000xi32, #tpu.memory_space<vmem_shared>> -> memref<10000xi32, #tpu.memory_space<vmem_shared>>
    tpu.enqueue_indirect_dma source(%dma_start3A_166 : memref<10000xi32, #tpu.memory_space<vmem_shared>>) target(%dma_start3A_162 : memref<80xi32, #tpu.memory_space<vmem>>) offsets(%dma_start3A_164 : memref<80xi32, #tpu.memory_space<vmem>>) semaphore(%arg16 : memref<!tpu.dma_semaphore, #tpu.memory_space<semaphore_mem>>)
    %dma_start3A_167 = arith.constant 4 : i32
    %dma_start3A_168 = arith.constant 0 : i32
    %dma_start3A_169 = arith.constant 0 : i32
    %dma_start3A_170 = tpu.memref_slice %arg10[%dma_start3A_167, %dma_start3A_168, %dma_start3A_169] : memref<5x80x128xf32, #tpu.memory_space<vmem>> -> memref<1x80x128xf32, #tpu.memory_space<vmem>>
    %dma_start3A_171 = tpu.memref_squeeze %dma_start3A_170 : memref<1x80x128xf32, #tpu.memory_space<vmem>> -> memref<80x128xf32, #tpu.memory_space<vmem>>
    %dma_start3A_172 = arith.constant 320 : i32
    %dma_start3A_173 = tpu.memref_slice %arg9[%dma_start3A_172] : memref<10000xi32, #tpu.memory_space<vmem>> -> memref<80xi32, #tpu.memory_space<vmem>>
    %dma_start3A_174 = arith.constant 0 : i32
    %dma_start3A_175 = arith.constant 0 : i32
    %dma_start3A_176 = tpu.memref_slice %arg6[%dma_start3A_174, %dma_start3A_175] : memref<256x128xf32, #tpu.memory_space<vmem_shared>> -> memref<256x128xf32, #tpu.memory_space<vmem_shared>>
    tpu.enqueue_indirect_dma source(%dma_start3A_176 : memref<256x128xf32, #tpu.memory_space<vmem_shared>>) target(%dma_start3A_171 : memref<80x128xf32, #tpu.memory_space<vmem>>) offsets(%dma_start3A_173 : memref<80xi32, #tpu.memory_space<vmem>>) semaphore(%arg21 : memref<!tpu.dma_semaphore, #tpu.memory_space<semaphore_mem>>)
    %dma_wait3A_177 = arith.constant 1 : i32
    %dma_wait3A_178 = arith.constant 0 : i32
    %dma_wait3A_179 = arith.constant 0 : i32
    %dma_wait3A_180 = tpu.memref_slice %arg10[%dma_wait3A_177, %dma_wait3A_178, %dma_wait3A_179] : memref<5x80x128xf32, #tpu.memory_space<vmem>> -> memref<1x80x128xf32, #tpu.memory_space<vmem>>
    %dma_wait3A_181 = tpu.memref_squeeze %dma_wait3A_180 : memref<1x80x128xf32, #tpu.memory_space<vmem>> -> memref<80x128xf32, #tpu.memory_space<vmem>>
    %dma_wait3A_182 = arith.constant 80 : i32
    %dma_wait3A_183 = tpu.memref_slice %arg9[%dma_wait3A_182] : memref<10000xi32, #tpu.memory_space<vmem>> -> memref<80xi32, #tpu.memory_space<vmem>>
    %dma_wait3A_184 = arith.constant 0 : i32
    %dma_wait3A_185 = arith.constant 0 : i32
    %dma_wait3A_186 = tpu.memref_slice %arg6[%dma_wait3A_184, %dma_wait3A_185] : memref<256x128xf32, #tpu.memory_space<vmem_shared>> -> memref<256x128xf32, #tpu.memory_space<vmem_shared>>
    tpu.wait_indirect_dma semaphore(%arg18 : memref<!tpu.dma_semaphore, #tpu.memory_space<semaphore_mem>>) src(%dma_wait3A_186 : memref<256x128xf32, #tpu.memory_space<vmem_shared>>) dst(%dma_wait3A_181 : memref<80x128xf32, #tpu.memory_space<vmem>>)
    %add3A_187 = arith.constant 80 : i32
    %add3A_188 = arith.addi %mul3A_2, %add3A_187 : i32
    %dma_start3A_189 = arith.constant 1 : i32
    %dma_start3A_190 = arith.constant 0 : i32
    %dma_start3A_191 = arith.constant 0 : i32
    %dma_start3A_192 = tpu.memref_slice %arg10[%dma_start3A_189, %dma_start3A_190, %dma_start3A_191] : memref<5x80x128xf32, #tpu.memory_space<vmem>> -> memref<1x80x128xf32, #tpu.memory_space<vmem>>
    %dma_start3A_193 = tpu.memref_squeeze %dma_start3A_192 : memref<1x80x128xf32, #tpu.memory_space<vmem>> -> memref<80x128xf32, #tpu.memory_space<vmem>>
    %dma_start3A_194 = arith.constant 0 : i32
    %dma_start3A_195 = tpu.memref_slice %arg5[%add3A_188, %dma_start3A_194] : memref<320000x128xf32, #tpu.memory_space<hbm>> -> memref<80x128xf32, #tpu.memory_space<hbm>>
    %dma_start3A_196 = arith.constant 0 : i32
    %dma_start3A_197 = tpu.memref_slice %arg5[%add3A_188, %dma_start3A_196] : memref<320000x128xf32, #tpu.memory_space<hbm>> -> memref<80x128xf32, #tpu.memory_space<hbm>>
    %dma_start3A_198 = arith.constant 0 : i32
    %dma_start3A_199 = arith.constant 0 : i32
    %dma_start3A_200 = tpu.memref_slice %arg10[%dma_start3A_189, %dma_start3A_198, %dma_start3A_199] : memref<5x80x128xf32, #tpu.memory_space<vmem>> -> memref<1x80x128xf32, #tpu.memory_space<vmem>>
    %dma_start3A_201 = tpu.memref_squeeze %dma_start3A_200 : memref<1x80x128xf32, #tpu.memory_space<vmem>> -> memref<80x128xf32, #tpu.memory_space<vmem>>
    tpu.enqueue_dma source(%dma_start3A_201 : memref<80x128xf32, #tpu.memory_space<vmem>>) target(%dma_start3A_197 : memref<80x128xf32, #tpu.memory_space<hbm>>) target_semaphore(%arg23 : memref<!tpu.dma_semaphore, #tpu.memory_space<semaphore_mem>>)
    %scan3A = arith.constant 0 : i32
    %scan3A_202 = arith.constant 1 : i32
    %scan3A_203 = arith.constant 23 : i32
    %scan3A_204 = arith.addi %scan3A_202, %scan3A_203 : i32
    %scan3A_205 = arith.constant 1 : i32
    scf.for %scan3A_637 = %scan3A_202 to %scan3A_204 step %scan3A_205  : i32 {
      %mul3A_638 = arith.constant 5 : i32
      %mul3A_639 = arith.muli %scan3A_637, %mul3A_638 : i32
      %add3A_640 = arith.constant 0 : i32
      %add3A_641 = arith.addi %mul3A_639, %add3A_640 : i32
      %mul3A_642 = arith.constant 80 : i32
      %mul3A_643 = arith.muli %add3A_641, %mul3A_642 : i32
      %dma_wait3A_644 = tpu.memref_slice %arg9[%mul3A_643] : memref<10000xi32, #tpu.memory_space<vmem>> -> memref<80xi32, #tpu.memory_space<vmem>>
      %dma_wait3A_645 = tpu.memref_slice %arg8[%mul3A_643] : memref<10000xi32, #tpu.memory_space<vmem>> -> memref<80xi32, #tpu.memory_space<vmem>>
      %dma_wait3A_646 = arith.constant 0 : i32
      %dma_wait3A_647 = tpu.memref_slice %arg7[%dma_wait3A_646] : memref<10000xi32, #tpu.memory_space<vmem_shared>> -> memref<10000xi32, #tpu.memory_space<vmem_shared>>
      tpu.wait_indirect_dma semaphore(%arg12 : memref<!tpu.dma_semaphore, #tpu.memory_space<semaphore_mem>>) src(%dma_wait3A_647 : memref<10000xi32, #tpu.memory_space<vmem_shared>>) dst(%dma_wait3A_644 : memref<80xi32, #tpu.memory_space<vmem>>)
      %add3A_648 = arith.constant 5 : i32
      %add3A_649 = arith.addi %add3A_641, %add3A_648 : i32
      %mul3A_650 = arith.constant 80 : i32
      %mul3A_651 = arith.muli %add3A_649, %mul3A_650 : i32
      %dma_start3A_652 = tpu.memref_slice %arg9[%mul3A_651] : memref<10000xi32, #tpu.memory_space<vmem>> -> memref<80xi32, #tpu.memory_space<vmem>>
      %dma_start3A_653 = tpu.memref_slice %arg8[%mul3A_651] : memref<10000xi32, #tpu.memory_space<vmem>> -> memref<80xi32, #tpu.memory_space<vmem>>
      %dma_start3A_654 = arith.constant 0 : i32
      %dma_start3A_655 = tpu.memref_slice %arg7[%dma_start3A_654] : memref<10000xi32, #tpu.memory_space<vmem_shared>> -> memref<10000xi32, #tpu.memory_space<vmem_shared>>
      tpu.enqueue_indirect_dma source(%dma_start3A_655 : memref<10000xi32, #tpu.memory_space<vmem_shared>>) target(%dma_start3A_652 : memref<80xi32, #tpu.memory_space<vmem>>) offsets(%dma_start3A_653 : memref<80xi32, #tpu.memory_space<vmem>>) semaphore(%arg12 : memref<!tpu.dma_semaphore, #tpu.memory_space<semaphore_mem>>)
      %sub3A = arith.constant 5 : i32
      %sub3A_656 = arith.subi %add3A_641, %sub3A : i32
      %mul3A_657 = arith.constant 80 : i32
      %mul3A_658 = arith.muli %sub3A_656, %mul3A_657 : i32
      %add3A_659 = arith.addi %mul3A_2, %mul3A_658 : i32
      %dma_wait3A_660 = arith.constant 0 : i32
      %dma_wait3A_661 = arith.constant 0 : i32
      %dma_wait3A_662 = arith.constant 0 : i32
      %dma_wait3A_663 = tpu.memref_slice %arg10[%dma_wait3A_660, %dma_wait3A_661, %dma_wait3A_662] : memref<5x80x128xf32, #tpu.memory_space<vmem>> -> memref<1x80x128xf32, #tpu.memory_space<vmem>>
      %dma_wait3A_664 = tpu.memref_squeeze %dma_wait3A_663 : memref<1x80x128xf32, #tpu.memory_space<vmem>> -> memref<80x128xf32, #tpu.memory_space<vmem>>
      %dma_wait3A_665 = arith.constant 0 : i32
      %dma_wait3A_666 = tpu.memref_slice %arg5[%add3A_659, %dma_wait3A_665] : memref<320000x128xf32, #tpu.memory_space<hbm>> -> memref<80x128xf32, #tpu.memory_space<hbm>>
      %dma_wait3A_667 = arith.constant 0 : i32
      %dma_wait3A_668 = tpu.memref_slice %arg5[%add3A_659, %dma_wait3A_667] : memref<320000x128xf32, #tpu.memory_space<hbm>> -> memref<80x128xf32, #tpu.memory_space<hbm>>
      %dma_wait3A_669 = arith.constant 0 : i32
      %dma_wait3A_670 = arith.constant 0 : i32
      %dma_wait3A_671 = tpu.memref_slice %arg10[%dma_wait3A_660, %dma_wait3A_669, %dma_wait3A_670] : memref<5x80x128xf32, #tpu.memory_space<vmem>> -> memref<1x80x128xf32, #tpu.memory_space<vmem>>
      %dma_wait3A_672 = tpu.memref_squeeze %dma_wait3A_671 : memref<1x80x128xf32, #tpu.memory_space<vmem>> -> memref<80x128xf32, #tpu.memory_space<vmem>>
      tpu.wait_dma2 semaphore(%arg22 : memref<!tpu.dma_semaphore, #tpu.memory_space<semaphore_mem>>) src(%dma_wait3A_672 : memref<80x128xf32, #tpu.memory_space<vmem>>) dst(%dma_wait3A_668 : memref<80x128xf32, #tpu.memory_space<hbm>>)
      %mul3A_673 = arith.constant 80 : i32
      %mul3A_674 = arith.muli %add3A_641, %mul3A_673 : i32
      %dma_start3A_675 = arith.constant 0 : i32
      %dma_start3A_676 = arith.constant 0 : i32
      %dma_start3A_677 = arith.constant 0 : i32
      %dma_start3A_678 = tpu.memref_slice %arg10[%dma_start3A_675, %dma_start3A_676, %dma_start3A_677] : memref<5x80x128xf32, #tpu.memory_space<vmem>> -> memref<1x80x128xf32, #tpu.memory_space<vmem>>
      %dma_start3A_679 = tpu.memref_squeeze %dma_start3A_678 : memref<1x80x128xf32, #tpu.memory_space<vmem>> -> memref<80x128xf32, #tpu.memory_space<vmem>>
      %dma_start3A_680 = tpu.memref_slice %arg9[%mul3A_674] : memref<10000xi32, #tpu.memory_space<vmem>> -> memref<80xi32, #tpu.memory_space<vmem>>
      %dma_start3A_681 = arith.constant 0 : i32
      %dma_start3A_682 = arith.constant 0 : i32
      %dma_start3A_683 = tpu.memref_slice %arg6[%dma_start3A_681, %dma_start3A_682] : memref<256x128xf32, #tpu.memory_space<vmem_shared>> -> memref<256x128xf32, #tpu.memory_space<vmem_shared>>
      tpu.enqueue_indirect_dma source(%dma_start3A_683 : memref<256x128xf32, #tpu.memory_space<vmem_shared>>) target(%dma_start3A_679 : memref<80x128xf32, #tpu.memory_space<vmem>>) offsets(%dma_start3A_680 : memref<80xi32, #tpu.memory_space<vmem>>) semaphore(%arg17 : memref<!tpu.dma_semaphore, #tpu.memory_space<semaphore_mem>>)
      %sub3A_684 = arith.constant 3 : i32
      %sub3A_685 = arith.subi %add3A_641, %sub3A_684 : i32
      %mul3A_686 = arith.constant 80 : i32
      %mul3A_687 = arith.muli %sub3A_685, %mul3A_686 : i32
      %dma_wait3A_688 = arith.constant 2 : i32
      %dma_wait3A_689 = arith.constant 0 : i32
      %dma_wait3A_690 = arith.constant 0 : i32
      %dma_wait3A_691 = tpu.memref_slice %arg10[%dma_wait3A_688, %dma_wait3A_689, %dma_wait3A_690] : memref<5x80x128xf32, #tpu.memory_space<vmem>> -> memref<1x80x128xf32, #tpu.memory_space<vmem>>
      %dma_wait3A_692 = tpu.memref_squeeze %dma_wait3A_691 : memref<1x80x128xf32, #tpu.memory_space<vmem>> -> memref<80x128xf32, #tpu.memory_space<vmem>>
      %dma_wait3A_693 = tpu.memref_slice %arg9[%mul3A_687] : memref<10000xi32, #tpu.memory_space<vmem>> -> memref<80xi32, #tpu.memory_space<vmem>>
      %dma_wait3A_694 = arith.constant 0 : i32
      %dma_wait3A_695 = arith.constant 0 : i32
      %dma_wait3A_696 = tpu.memref_slice %arg6[%dma_wait3A_694, %dma_wait3A_695] : memref<256x128xf32, #tpu.memory_space<vmem_shared>> -> memref<256x128xf32, #tpu.memory_space<vmem_shared>>
      tpu.wait_indirect_dma semaphore(%arg19 : memref<!tpu.dma_semaphore, #tpu.memory_space<semaphore_mem>>) src(%dma_wait3A_696 : memref<256x128xf32, #tpu.memory_space<vmem_shared>>) dst(%dma_wait3A_692 : memref<80x128xf32, #tpu.memory_space<vmem>>)
      %sub3A_697 = arith.constant 3 : i32
      %sub3A_698 = arith.subi %add3A_641, %sub3A_697 : i32
      %mul3A_699 = arith.constant 80 : i32
      %mul3A_700 = arith.muli %sub3A_698, %mul3A_699 : i32
      %add3A_701 = arith.addi %mul3A_2, %mul3A_700 : i32
      %dma_start3A_702 = arith.constant 2 : i32
      %dma_start3A_703 = arith.constant 0 : i32
      %dma_start3A_704 = arith.constant 0 : i32
      %dma_start3A_705 = tpu.memref_slice %arg10[%dma_start3A_702, %dma_start3A_703, %dma_start3A_704] : memref<5x80x128xf32, #tpu.memory_space<vmem>> -> memref<1x80x128xf32, #tpu.memory_space<vmem>>
      %dma_start3A_706 = tpu.memref_squeeze %dma_start3A_705 : memref<1x80x128xf32, #tpu.memory_space<vmem>> -> memref<80x128xf32, #tpu.memory_space<vmem>>
      %dma_start3A_707 = arith.constant 0 : i32
      %dma_start3A_708 = tpu.memref_slice %arg5[%add3A_701, %dma_start3A_707] : memref<320000x128xf32, #tpu.memory_space<hbm>> -> memref<80x128xf32, #tpu.memory_space<hbm>>
      %dma_start3A_709 = arith.constant 0 : i32
      %dma_start3A_710 = tpu.memref_slice %arg5[%add3A_701, %dma_start3A_709] : memref<320000x128xf32, #tpu.memory_space<hbm>> -> memref<80x128xf32, #tpu.memory_space<hbm>>
      %dma_start3A_711 = arith.constant 0 : i32
      %dma_start3A_712 = arith.constant 0 : i32
      %dma_start3A_713 = tpu.memref_slice %arg10[%dma_start3A_702, %dma_start3A_711, %dma_start3A_712] : memref<5x80x128xf32, #tpu.memory_space<vmem>> -> memref<1x80x128xf32, #tpu.memory_space<vmem>>
      %dma_start3A_714 = tpu.memref_squeeze %dma_start3A_713 : memref<1x80x128xf32, #tpu.memory_space<vmem>> -> memref<80x128xf32, #tpu.memory_space<vmem>>
      tpu.enqueue_dma source(%dma_start3A_714 : memref<80x128xf32, #tpu.memory_space<vmem>>) target(%dma_start3A_710 : memref<80x128xf32, #tpu.memory_space<hbm>>) target_semaphore(%arg24 : memref<!tpu.dma_semaphore, #tpu.memory_space<semaphore_mem>>)
      %mul3A_715 = arith.constant 5 : i32
      %mul3A_716 = arith.muli %scan3A_637, %mul3A_715 : i32
      %add3A_717 = arith.constant 1 : i32
      %add3A_718 = arith.addi %mul3A_716, %add3A_717 : i32
      %mul3A_719 = arith.constant 80 : i32
      %mul3A_720 = arith.muli %add3A_718, %mul3A_719 : i32
      %dma_wait3A_721 = tpu.memref_slice %arg9[%mul3A_720] : memref<10000xi32, #tpu.memory_space<vmem>> -> memref<80xi32, #tpu.memory_space<vmem>>
      %dma_wait3A_722 = tpu.memref_slice %arg8[%mul3A_720] : memref<10000xi32, #tpu.memory_space<vmem>> -> memref<80xi32, #tpu.memory_space<vmem>>
      %dma_wait3A_723 = arith.constant 0 : i32
      %dma_wait3A_724 = tpu.memref_slice %arg7[%dma_wait3A_723] : memref<10000xi32, #tpu.memory_space<vmem_shared>> -> memref<10000xi32, #tpu.memory_space<vmem_shared>>
      tpu.wait_indirect_dma semaphore(%arg13 : memref<!tpu.dma_semaphore, #tpu.memory_space<semaphore_mem>>) src(%dma_wait3A_724 : memref<10000xi32, #tpu.memory_space<vmem_shared>>) dst(%dma_wait3A_721 : memref<80xi32, #tpu.memory_space<vmem>>)
      %add3A_725 = arith.constant 5 : i32
      %add3A_726 = arith.addi %add3A_718, %add3A_725 : i32
      %mul3A_727 = arith.constant 80 : i32
      %mul3A_728 = arith.muli %add3A_726, %mul3A_727 : i32
      %dma_start3A_729 = tpu.memref_slice %arg9[%mul3A_728] : memref<10000xi32, #tpu.memory_space<vmem>> -> memref<80xi32, #tpu.memory_space<vmem>>
      %dma_start3A_730 = tpu.memref_slice %arg8[%mul3A_728] : memref<10000xi32, #tpu.memory_space<vmem>> -> memref<80xi32, #tpu.memory_space<vmem>>
      %dma_start3A_731 = arith.constant 0 : i32
      %dma_start3A_732 = tpu.memref_slice %arg7[%dma_start3A_731] : memref<10000xi32, #tpu.memory_space<vmem_shared>> -> memref<10000xi32, #tpu.memory_space<vmem_shared>>
      tpu.enqueue_indirect_dma source(%dma_start3A_732 : memref<10000xi32, #tpu.memory_space<vmem_shared>>) target(%dma_start3A_729 : memref<80xi32, #tpu.memory_space<vmem>>) offsets(%dma_start3A_730 : memref<80xi32, #tpu.memory_space<vmem>>) semaphore(%arg13 : memref<!tpu.dma_semaphore, #tpu.memory_space<semaphore_mem>>)
      %sub3A_733 = arith.constant 5 : i32
      %sub3A_734 = arith.subi %add3A_718, %sub3A_733 : i32
      %mul3A_735 = arith.constant 80 : i32
      %mul3A_736 = arith.muli %sub3A_734, %mul3A_735 : i32
      %add3A_737 = arith.addi %mul3A_2, %mul3A_736 : i32
      %dma_wait3A_738 = arith.constant 1 : i32
      %dma_wait3A_739 = arith.constant 0 : i32
      %dma_wait3A_740 = arith.constant 0 : i32
      %dma_wait3A_741 = tpu.memref_slice %arg10[%dma_wait3A_738, %dma_wait3A_739, %dma_wait3A_740] : memref<5x80x128xf32, #tpu.memory_space<vmem>> -> memref<1x80x128xf32, #tpu.memory_space<vmem>>
      %dma_wait3A_742 = tpu.memref_squeeze %dma_wait3A_741 : memref<1x80x128xf32, #tpu.memory_space<vmem>> -> memref<80x128xf32, #tpu.memory_space<vmem>>
      %dma_wait3A_743 = arith.constant 0 : i32
      %dma_wait3A_744 = tpu.memref_slice %arg5[%add3A_737, %dma_wait3A_743] : memref<320000x128xf32, #tpu.memory_space<hbm>> -> memref<80x128xf32, #tpu.memory_space<hbm>>
      %dma_wait3A_745 = arith.constant 0 : i32
      %dma_wait3A_746 = tpu.memref_slice %arg5[%add3A_737, %dma_wait3A_745] : memref<320000x128xf32, #tpu.memory_space<hbm>> -> memref<80x128xf32, #tpu.memory_space<hbm>>
      %dma_wait3A_747 = arith.constant 0 : i32
      %dma_wait3A_748 = arith.constant 0 : i32
      %dma_wait3A_749 = tpu.memref_slice %arg10[%dma_wait3A_738, %dma_wait3A_747, %dma_wait3A_748] : memref<5x80x128xf32, #tpu.memory_space<vmem>> -> memref<1x80x128xf32, #tpu.memory_space<vmem>>
      %dma_wait3A_750 = tpu.memref_squeeze %dma_wait3A_749 : memref<1x80x128xf32, #tpu.memory_space<vmem>> -> memref<80x128xf32, #tpu.memory_space<vmem>>
      tpu.wait_dma2 semaphore(%arg23 : memref<!tpu.dma_semaphore, #tpu.memory_space<semaphore_mem>>) src(%dma_wait3A_750 : memref<80x128xf32, #tpu.memory_space<vmem>>) dst(%dma_wait3A_746 : memref<80x128xf32, #tpu.memory_space<hbm>>)
      %mul3A_751 = arith.constant 80 : i32
      %mul3A_752 = arith.muli %add3A_718, %mul3A_751 : i32
      %dma_start3A_753 = arith.constant 1 : i32
      %dma_start3A_754 = arith.constant 0 : i32
      %dma_start3A_755 = arith.constant 0 : i32
      %dma_start3A_756 = tpu.memref_slice %arg10[%dma_start3A_753, %dma_start3A_754, %dma_start3A_755] : memref<5x80x128xf32, #tpu.memory_space<vmem>> -> memref<1x80x128xf32, #tpu.memory_space<vmem>>
      %dma_start3A_757 = tpu.memref_squeeze %dma_start3A_756 : memref<1x80x128xf32, #tpu.memory_space<vmem>> -> memref<80x128xf32, #tpu.memory_space<vmem>>
      %dma_start3A_758 = tpu.memref_slice %arg9[%mul3A_752] : memref<10000xi32, #tpu.memory_space<vmem>> -> memref<80xi32, #tpu.memory_space<vmem>>
      %dma_start3A_759 = arith.constant 0 : i32
      %dma_start3A_760 = arith.constant 0 : i32
      %dma_start3A_761 = tpu.memref_slice %arg6[%dma_start3A_759, %dma_start3A_760] : memref<256x128xf32, #tpu.memory_space<vmem_shared>> -> memref<256x128xf32, #tpu.memory_space<vmem_shared>>
      tpu.enqueue_indirect_dma source(%dma_start3A_761 : memref<256x128xf32, #tpu.memory_space<vmem_shared>>) target(%dma_start3A_757 : memref<80x128xf32, #tpu.memory_space<vmem>>) offsets(%dma_start3A_758 : memref<80xi32, #tpu.memory_space<vmem>>) semaphore(%arg18 : memref<!tpu.dma_semaphore, #tpu.memory_space<semaphore_mem>>)
      %sub3A_762 = arith.constant 3 : i32
      %sub3A_763 = arith.subi %add3A_718, %sub3A_762 : i32
      %mul3A_764 = arith.constant 80 : i32
      %mul3A_765 = arith.muli %sub3A_763, %mul3A_764 : i32
      %dma_wait3A_766 = arith.constant 3 : i32
      %dma_wait3A_767 = arith.constant 0 : i32
      %dma_wait3A_768 = arith.constant 0 : i32
      %dma_wait3A_769 = tpu.memref_slice %arg10[%dma_wait3A_766, %dma_wait3A_767, %dma_wait3A_768] : memref<5x80x128xf32, #tpu.memory_space<vmem>> -> memref<1x80x128xf32, #tpu.memory_space<vmem>>
      %dma_wait3A_770 = tpu.memref_squeeze %dma_wait3A_769 : memref<1x80x128xf32, #tpu.memory_space<vmem>> -> memref<80x128xf32, #tpu.memory_space<vmem>>
      %dma_wait3A_771 = tpu.memref_slice %arg9[%mul3A_765] : memref<10000xi32, #tpu.memory_space<vmem>> -> memref<80xi32, #tpu.memory_space<vmem>>
      %dma_wait3A_772 = arith.constant 0 : i32
      %dma_wait3A_773 = arith.constant 0 : i32
      %dma_wait3A_774 = tpu.memref_slice %arg6[%dma_wait3A_772, %dma_wait3A_773] : memref<256x128xf32, #tpu.memory_space<vmem_shared>> -> memref<256x128xf32, #tpu.memory_space<vmem_shared>>
      tpu.wait_indirect_dma semaphore(%arg20 : memref<!tpu.dma_semaphore, #tpu.memory_space<semaphore_mem>>) src(%dma_wait3A_774 : memref<256x128xf32, #tpu.memory_space<vmem_shared>>) dst(%dma_wait3A_770 : memref<80x128xf32, #tpu.memory_space<vmem>>)
      %sub3A_775 = arith.constant 3 : i32
      %sub3A_776 = arith.subi %add3A_718, %sub3A_775 : i32
      %mul3A_777 = arith.constant 80 : i32
      %mul3A_778 = arith.muli %sub3A_776, %mul3A_777 : i32
      %add3A_779 = arith.addi %mul3A_2, %mul3A_778 : i32
      %dma_start3A_780 = arith.constant 3 : i32
      %dma_start3A_781 = arith.constant 0 : i32
      %dma_start3A_782 = arith.constant 0 : i32
      %dma_start3A_783 = tpu.memref_slice %arg10[%dma_start3A_780, %dma_start3A_781, %dma_start3A_782] : memref<5x80x128xf32, #tpu.memory_space<vmem>> -> memref<1x80x128xf32, #tpu.memory_space<vmem>>
      %dma_start3A_784 = tpu.memref_squeeze %dma_start3A_783 : memref<1x80x128xf32, #tpu.memory_space<vmem>> -> memref<80x128xf32, #tpu.memory_space<vmem>>
      %dma_start3A_785 = arith.constant 0 : i32
      %dma_start3A_786 = tpu.memref_slice %arg5[%add3A_779, %dma_start3A_785] : memref<320000x128xf32, #tpu.memory_space<hbm>> -> memref<80x128xf32, #tpu.memory_space<hbm>>
      %dma_start3A_787 = arith.constant 0 : i32
      %dma_start3A_788 = tpu.memref_slice %arg5[%add3A_779, %dma_start3A_787] : memref<320000x128xf32, #tpu.memory_space<hbm>> -> memref<80x128xf32, #tpu.memory_space<hbm>>
      %dma_start3A_789 = arith.constant 0 : i32
      %dma_start3A_790 = arith.constant 0 : i32
      %dma_start3A_791 = tpu.memref_slice %arg10[%dma_start3A_780, %dma_start3A_789, %dma_start3A_790] : memref<5x80x128xf32, #tpu.memory_space<vmem>> -> memref<1x80x128xf32, #tpu.memory_space<vmem>>
      %dma_start3A_792 = tpu.memref_squeeze %dma_start3A_791 : memref<1x80x128xf32, #tpu.memory_space<vmem>> -> memref<80x128xf32, #tpu.memory_space<vmem>>
      tpu.enqueue_dma source(%dma_start3A_792 : memref<80x128xf32, #tpu.memory_space<vmem>>) target(%dma_start3A_788 : memref<80x128xf32, #tpu.memory_space<hbm>>) target_semaphore(%arg25 : memref<!tpu.dma_semaphore, #tpu.memory_space<semaphore_mem>>)
      %mul3A_793 = arith.constant 5 : i32
      %mul3A_794 = arith.muli %scan3A_637, %mul3A_793 : i32
      %add3A_795 = arith.constant 2 : i32
      %add3A_796 = arith.addi %mul3A_794, %add3A_795 : i32
      %mul3A_797 = arith.constant 80 : i32
      %mul3A_798 = arith.muli %add3A_796, %mul3A_797 : i32
      %dma_wait3A_799 = tpu.memref_slice %arg9[%mul3A_798] : memref<10000xi32, #tpu.memory_space<vmem>> -> memref<80xi32, #tpu.memory_space<vmem>>
      %dma_wait3A_800 = tpu.memref_slice %arg8[%mul3A_798] : memref<10000xi32, #tpu.memory_space<vmem>> -> memref<80xi32, #tpu.memory_space<vmem>>
      %dma_wait3A_801 = arith.constant 0 : i32
      %dma_wait3A_802 = tpu.memref_slice %arg7[%dma_wait3A_801] : memref<10000xi32, #tpu.memory_space<vmem_shared>> -> memref<10000xi32, #tpu.memory_space<vmem_shared>>
      tpu.wait_indirect_dma semaphore(%arg14 : memref<!tpu.dma_semaphore, #tpu.memory_space<semaphore_mem>>) src(%dma_wait3A_802 : memref<10000xi32, #tpu.memory_space<vmem_shared>>) dst(%dma_wait3A_799 : memref<80xi32, #tpu.memory_space<vmem>>)
      %add3A_803 = arith.constant 5 : i32
      %add3A_804 = arith.addi %add3A_796, %add3A_803 : i32
      %mul3A_805 = arith.constant 80 : i32
      %mul3A_806 = arith.muli %add3A_804, %mul3A_805 : i32
      %dma_start3A_807 = tpu.memref_slice %arg9[%mul3A_806] : memref<10000xi32, #tpu.memory_space<vmem>> -> memref<80xi32, #tpu.memory_space<vmem>>
      %dma_start3A_808 = tpu.memref_slice %arg8[%mul3A_806] : memref<10000xi32, #tpu.memory_space<vmem>> -> memref<80xi32, #tpu.memory_space<vmem>>
      %dma_start3A_809 = arith.constant 0 : i32
      %dma_start3A_810 = tpu.memref_slice %arg7[%dma_start3A_809] : memref<10000xi32, #tpu.memory_space<vmem_shared>> -> memref<10000xi32, #tpu.memory_space<vmem_shared>>
      tpu.enqueue_indirect_dma source(%dma_start3A_810 : memref<10000xi32, #tpu.memory_space<vmem_shared>>) target(%dma_start3A_807 : memref<80xi32, #tpu.memory_space<vmem>>) offsets(%dma_start3A_808 : memref<80xi32, #tpu.memory_space<vmem>>) semaphore(%arg14 : memref<!tpu.dma_semaphore, #tpu.memory_space<semaphore_mem>>)
      %sub3A_811 = arith.constant 5 : i32
      %sub3A_812 = arith.subi %add3A_796, %sub3A_811 : i32
      %mul3A_813 = arith.constant 80 : i32
      %mul3A_814 = arith.muli %sub3A_812, %mul3A_813 : i32
      %add3A_815 = arith.addi %mul3A_2, %mul3A_814 : i32
      %dma_wait3A_816 = arith.constant 2 : i32
      %dma_wait3A_817 = arith.constant 0 : i32
      %dma_wait3A_818 = arith.constant 0 : i32
      %dma_wait3A_819 = tpu.memref_slice %arg10[%dma_wait3A_816, %dma_wait3A_817, %dma_wait3A_818] : memref<5x80x128xf32, #tpu.memory_space<vmem>> -> memref<1x80x128xf32, #tpu.memory_space<vmem>>
      %dma_wait3A_820 = tpu.memref_squeeze %dma_wait3A_819 : memref<1x80x128xf32, #tpu.memory_space<vmem>> -> memref<80x128xf32, #tpu.memory_space<vmem>>
      %dma_wait3A_821 = arith.constant 0 : i32
      %dma_wait3A_822 = tpu.memref_slice %arg5[%add3A_815, %dma_wait3A_821] : memref<320000x128xf32, #tpu.memory_space<hbm>> -> memref<80x128xf32, #tpu.memory_space<hbm>>
      %dma_wait3A_823 = arith.constant 0 : i32
      %dma_wait3A_824 = tpu.memref_slice %arg5[%add3A_815, %dma_wait3A_823] : memref<320000x128xf32, #tpu.memory_space<hbm>> -> memref<80x128xf32, #tpu.memory_space<hbm>>
      %dma_wait3A_825 = arith.constant 0 : i32
      %dma_wait3A_826 = arith.constant 0 : i32
      %dma_wait3A_827 = tpu.memref_slice %arg10[%dma_wait3A_816, %dma_wait3A_825, %dma_wait3A_826] : memref<5x80x128xf32, #tpu.memory_space<vmem>> -> memref<1x80x128xf32, #tpu.memory_space<vmem>>
      %dma_wait3A_828 = tpu.memref_squeeze %dma_wait3A_827 : memref<1x80x128xf32, #tpu.memory_space<vmem>> -> memref<80x128xf32, #tpu.memory_space<vmem>>
      tpu.wait_dma2 semaphore(%arg24 : memref<!tpu.dma_semaphore, #tpu.memory_space<semaphore_mem>>) src(%dma_wait3A_828 : memref<80x128xf32, #tpu.memory_space<vmem>>) dst(%dma_wait3A_824 : memref<80x128xf32, #tpu.memory_space<hbm>>)
      %mul3A_829 = arith.constant 80 : i32
      %mul3A_830 = arith.muli %add3A_796, %mul3A_829 : i32
      %dma_start3A_831 = arith.constant 2 : i32
      %dma_start3A_832 = arith.constant 0 : i32
      %dma_start3A_833 = arith.constant 0 : i32
      %dma_start3A_834 = tpu.memref_slice %arg10[%dma_start3A_831, %dma_start3A_832, %dma_start3A_833] : memref<5x80x128xf32, #tpu.memory_space<vmem>> -> memref<1x80x128xf32, #tpu.memory_space<vmem>>
      %dma_start3A_835 = tpu.memref_squeeze %dma_start3A_834 : memref<1x80x128xf32, #tpu.memory_space<vmem>> -> memref<80x128xf32, #tpu.memory_space<vmem>>
      %dma_start3A_836 = tpu.memref_slice %arg9[%mul3A_830] : memref<10000xi32, #tpu.memory_space<vmem>> -> memref<80xi32, #tpu.memory_space<vmem>>
      %dma_start3A_837 = arith.constant 0 : i32
      %dma_start3A_838 = arith.constant 0 : i32
      %dma_start3A_839 = tpu.memref_slice %arg6[%dma_start3A_837, %dma_start3A_838] : memref<256x128xf32, #tpu.memory_space<vmem_shared>> -> memref<256x128xf32, #tpu.memory_space<vmem_shared>>
      tpu.enqueue_indirect_dma source(%dma_start3A_839 : memref<256x128xf32, #tpu.memory_space<vmem_shared>>) target(%dma_start3A_835 : memref<80x128xf32, #tpu.memory_space<vmem>>) offsets(%dma_start3A_836 : memref<80xi32, #tpu.memory_space<vmem>>) semaphore(%arg19 : memref<!tpu.dma_semaphore, #tpu.memory_space<semaphore_mem>>)
      %sub3A_840 = arith.constant 3 : i32
      %sub3A_841 = arith.subi %add3A_796, %sub3A_840 : i32
      %mul3A_842 = arith.constant 80 : i32
      %mul3A_843 = arith.muli %sub3A_841, %mul3A_842 : i32
      %dma_wait3A_844 = arith.constant 4 : i32
      %dma_wait3A_845 = arith.constant 0 : i32
      %dma_wait3A_846 = arith.constant 0 : i32
      %dma_wait3A_847 = tpu.memref_slice %arg10[%dma_wait3A_844, %dma_wait3A_845, %dma_wait3A_846] : memref<5x80x128xf32, #tpu.memory_space<vmem>> -> memref<1x80x128xf32, #tpu.memory_space<vmem>>
      %dma_wait3A_848 = tpu.memref_squeeze %dma_wait3A_847 : memref<1x80x128xf32, #tpu.memory_space<vmem>> -> memref<80x128xf32, #tpu.memory_space<vmem>>
      %dma_wait3A_849 = tpu.memref_slice %arg9[%mul3A_843] : memref<10000xi32, #tpu.memory_space<vmem>> -> memref<80xi32, #tpu.memory_space<vmem>>
      %dma_wait3A_850 = arith.constant 0 : i32
      %dma_wait3A_851 = arith.constant 0 : i32
      %dma_wait3A_852 = tpu.memref_slice %arg6[%dma_wait3A_850, %dma_wait3A_851] : memref<256x128xf32, #tpu.memory_space<vmem_shared>> -> memref<256x128xf32, #tpu.memory_space<vmem_shared>>
      tpu.wait_indirect_dma semaphore(%arg21 : memref<!tpu.dma_semaphore, #tpu.memory_space<semaphore_mem>>) src(%dma_wait3A_852 : memref<256x128xf32, #tpu.memory_space<vmem_shared>>) dst(%dma_wait3A_848 : memref<80x128xf32, #tpu.memory_space<vmem>>)
      %sub3A_853 = arith.constant 3 : i32
      %sub3A_854 = arith.subi %add3A_796, %sub3A_853 : i32
      %mul3A_855 = arith.constant 80 : i32
      %mul3A_856 = arith.muli %sub3A_854, %mul3A_855 : i32
      %add3A_857 = arith.addi %mul3A_2, %mul3A_856 : i32
      %dma_start3A_858 = arith.constant 4 : i32
      %dma_start3A_859 = arith.constant 0 : i32
      %dma_start3A_860 = arith.constant 0 : i32
      %dma_start3A_861 = tpu.memref_slice %arg10[%dma_start3A_858, %dma_start3A_859, %dma_start3A_860] : memref<5x80x128xf32, #tpu.memory_space<vmem>> -> memref<1x80x128xf32, #tpu.memory_space<vmem>>
      %dma_start3A_862 = tpu.memref_squeeze %dma_start3A_861 : memref<1x80x128xf32, #tpu.memory_space<vmem>> -> memref<80x128xf32, #tpu.memory_space<vmem>>
      %dma_start3A_863 = arith.constant 0 : i32
      %dma_start3A_864 = tpu.memref_slice %arg5[%add3A_857, %dma_start3A_863] : memref<320000x128xf32, #tpu.memory_space<hbm>> -> memref<80x128xf32, #tpu.memory_space<hbm>>
      %dma_start3A_865 = arith.constant 0 : i32
      %dma_start3A_866 = tpu.memref_slice %arg5[%add3A_857, %dma_start3A_865] : memref<320000x128xf32, #tpu.memory_space<hbm>> -> memref<80x128xf32, #tpu.memory_space<hbm>>
      %dma_start3A_867 = arith.constant 0 : i32
      %dma_start3A_868 = arith.constant 0 : i32
      %dma_start3A_869 = tpu.memref_slice %arg10[%dma_start3A_858, %dma_start3A_867, %dma_start3A_868] : memref<5x80x128xf32, #tpu.memory_space<vmem>> -> memref<1x80x128xf32, #tpu.memory_space<vmem>>
      %dma_start3A_870 = tpu.memref_squeeze %dma_start3A_869 : memref<1x80x128xf32, #tpu.memory_space<vmem>> -> memref<80x128xf32, #tpu.memory_space<vmem>>
      tpu.enqueue_dma source(%dma_start3A_870 : memref<80x128xf32, #tpu.memory_space<vmem>>) target(%dma_start3A_866 : memref<80x128xf32, #tpu.memory_space<hbm>>) target_semaphore(%arg26 : memref<!tpu.dma_semaphore, #tpu.memory_space<semaphore_mem>>)
      %mul3A_871 = arith.constant 5 : i32
      %mul3A_872 = arith.muli %scan3A_637, %mul3A_871 : i32
      %add3A_873 = arith.constant 3 : i32
      %add3A_874 = arith.addi %mul3A_872, %add3A_873 : i32
      %mul3A_875 = arith.constant 80 : i32
      %mul3A_876 = arith.muli %add3A_874, %mul3A_875 : i32
      %dma_wait3A_877 = tpu.memref_slice %arg9[%mul3A_876] : memref<10000xi32, #tpu.memory_space<vmem>> -> memref<80xi32, #tpu.memory_space<vmem>>
      %dma_wait3A_878 = tpu.memref_slice %arg8[%mul3A_876] : memref<10000xi32, #tpu.memory_space<vmem>> -> memref<80xi32, #tpu.memory_space<vmem>>
      %dma_wait3A_879 = arith.constant 0 : i32
      %dma_wait3A_880 = tpu.memref_slice %arg7[%dma_wait3A_879] : memref<10000xi32, #tpu.memory_space<vmem_shared>> -> memref<10000xi32, #tpu.memory_space<vmem_shared>>
      tpu.wait_indirect_dma semaphore(%arg15 : memref<!tpu.dma_semaphore, #tpu.memory_space<semaphore_mem>>) src(%dma_wait3A_880 : memref<10000xi32, #tpu.memory_space<vmem_shared>>) dst(%dma_wait3A_877 : memref<80xi32, #tpu.memory_space<vmem>>)
      %add3A_881 = arith.constant 5 : i32
      %add3A_882 = arith.addi %add3A_874, %add3A_881 : i32
      %mul3A_883 = arith.constant 80 : i32
      %mul3A_884 = arith.muli %add3A_882, %mul3A_883 : i32
      %dma_start3A_885 = tpu.memref_slice %arg9[%mul3A_884] : memref<10000xi32, #tpu.memory_space<vmem>> -> memref<80xi32, #tpu.memory_space<vmem>>
      %dma_start3A_886 = tpu.memref_slice %arg8[%mul3A_884] : memref<10000xi32, #tpu.memory_space<vmem>> -> memref<80xi32, #tpu.memory_space<vmem>>
      %dma_start3A_887 = arith.constant 0 : i32
      %dma_start3A_888 = tpu.memref_slice %arg7[%dma_start3A_887] : memref<10000xi32, #tpu.memory_space<vmem_shared>> -> memref<10000xi32, #tpu.memory_space<vmem_shared>>
      tpu.enqueue_indirect_dma source(%dma_start3A_888 : memref<10000xi32, #tpu.memory_space<vmem_shared>>) target(%dma_start3A_885 : memref<80xi32, #tpu.memory_space<vmem>>) offsets(%dma_start3A_886 : memref<80xi32, #tpu.memory_space<vmem>>) semaphore(%arg15 : memref<!tpu.dma_semaphore, #tpu.memory_space<semaphore_mem>>)
      %sub3A_889 = arith.constant 5 : i32
      %sub3A_890 = arith.subi %add3A_874, %sub3A_889 : i32
      %mul3A_891 = arith.constant 80 : i32
      %mul3A_892 = arith.muli %sub3A_890, %mul3A_891 : i32
      %add3A_893 = arith.addi %mul3A_2, %mul3A_892 : i32
      %dma_wait3A_894 = arith.constant 3 : i32
      %dma_wait3A_895 = arith.constant 0 : i32
      %dma_wait3A_896 = arith.constant 0 : i32
      %dma_wait3A_897 = tpu.memref_slice %arg10[%dma_wait3A_894, %dma_wait3A_895, %dma_wait3A_896] : memref<5x80x128xf32, #tpu.memory_space<vmem>> -> memref<1x80x128xf32, #tpu.memory_space<vmem>>
      %dma_wait3A_898 = tpu.memref_squeeze %dma_wait3A_897 : memref<1x80x128xf32, #tpu.memory_space<vmem>> -> memref<80x128xf32, #tpu.memory_space<vmem>>
      %dma_wait3A_899 = arith.constant 0 : i32
      %dma_wait3A_900 = tpu.memref_slice %arg5[%add3A_893, %dma_wait3A_899] : memref<320000x128xf32, #tpu.memory_space<hbm>> -> memref<80x128xf32, #tpu.memory_space<hbm>>
      %dma_wait3A_901 = arith.constant 0 : i32
      %dma_wait3A_902 = tpu.memref_slice %arg5[%add3A_893, %dma_wait3A_901] : memref<320000x128xf32, #tpu.memory_space<hbm>> -> memref<80x128xf32, #tpu.memory_space<hbm>>
      %dma_wait3A_903 = arith.constant 0 : i32
      %dma_wait3A_904 = arith.constant 0 : i32
      %dma_wait3A_905 = tpu.memref_slice %arg10[%dma_wait3A_894, %dma_wait3A_903, %dma_wait3A_904] : memref<5x80x128xf32, #tpu.memory_space<vmem>> -> memref<1x80x128xf32, #tpu.memory_space<vmem>>
      %dma_wait3A_906 = tpu.memref_squeeze %dma_wait3A_905 : memref<1x80x128xf32, #tpu.memory_space<vmem>> -> memref<80x128xf32, #tpu.memory_space<vmem>>
      tpu.wait_dma2 semaphore(%arg25 : memref<!tpu.dma_semaphore, #tpu.memory_space<semaphore_mem>>) src(%dma_wait3A_906 : memref<80x128xf32, #tpu.memory_space<vmem>>) dst(%dma_wait3A_902 : memref<80x128xf32, #tpu.memory_space<hbm>>)
      %mul3A_907 = arith.constant 80 : i32
      %mul3A_908 = arith.muli %add3A_874, %mul3A_907 : i32
      %dma_start3A_909 = arith.constant 3 : i32
      %dma_start3A_910 = arith.constant 0 : i32
      %dma_start3A_911 = arith.constant 0 : i32
      %dma_start3A_912 = tpu.memref_slice %arg10[%dma_start3A_909, %dma_start3A_910, %dma_start3A_911] : memref<5x80x128xf32, #tpu.memory_space<vmem>> -> memref<1x80x128xf32, #tpu.memory_space<vmem>>
      %dma_start3A_913 = tpu.memref_squeeze %dma_start3A_912 : memref<1x80x128xf32, #tpu.memory_space<vmem>> -> memref<80x128xf32, #tpu.memory_space<vmem>>
      %dma_start3A_914 = tpu.memref_slice %arg9[%mul3A_908] : memref<10000xi32, #tpu.memory_space<vmem>> -> memref<80xi32, #tpu.memory_space<vmem>>
      %dma_start3A_915 = arith.constant 0 : i32
      %dma_start3A_916 = arith.constant 0 : i32
      %dma_start3A_917 = tpu.memref_slice %arg6[%dma_start3A_915, %dma_start3A_916] : memref<256x128xf32, #tpu.memory_space<vmem_shared>> -> memref<256x128xf32, #tpu.memory_space<vmem_shared>>
      tpu.enqueue_indirect_dma source(%dma_start3A_917 : memref<256x128xf32, #tpu.memory_space<vmem_shared>>) target(%dma_start3A_913 : memref<80x128xf32, #tpu.memory_space<vmem>>) offsets(%dma_start3A_914 : memref<80xi32, #tpu.memory_space<vmem>>) semaphore(%arg20 : memref<!tpu.dma_semaphore, #tpu.memory_space<semaphore_mem>>)
      %sub3A_918 = arith.constant 3 : i32
      %sub3A_919 = arith.subi %add3A_874, %sub3A_918 : i32
      %mul3A_920 = arith.constant 80 : i32
      %mul3A_921 = arith.muli %sub3A_919, %mul3A_920 : i32
      %dma_wait3A_922 = arith.constant 0 : i32
      %dma_wait3A_923 = arith.constant 0 : i32
      %dma_wait3A_924 = arith.constant 0 : i32
      %dma_wait3A_925 = tpu.memref_slice %arg10[%dma_wait3A_922, %dma_wait3A_923, %dma_wait3A_924] : memref<5x80x128xf32, #tpu.memory_space<vmem>> -> memref<1x80x128xf32, #tpu.memory_space<vmem>>
      %dma_wait3A_926 = tpu.memref_squeeze %dma_wait3A_925 : memref<1x80x128xf32, #tpu.memory_space<vmem>> -> memref<80x128xf32, #tpu.memory_space<vmem>>
      %dma_wait3A_927 = tpu.memref_slice %arg9[%mul3A_921] : memref<10000xi32, #tpu.memory_space<vmem>> -> memref<80xi32, #tpu.memory_space<vmem>>
      %dma_wait3A_928 = arith.constant 0 : i32
      %dma_wait3A_929 = arith.constant 0 : i32
      %dma_wait3A_930 = tpu.memref_slice %arg6[%dma_wait3A_928, %dma_wait3A_929] : memref<256x128xf32, #tpu.memory_space<vmem_shared>> -> memref<256x128xf32, #tpu.memory_space<vmem_shared>>
      tpu.wait_indirect_dma semaphore(%arg17 : memref<!tpu.dma_semaphore, #tpu.memory_space<semaphore_mem>>) src(%dma_wait3A_930 : memref<256x128xf32, #tpu.memory_space<vmem_shared>>) dst(%dma_wait3A_926 : memref<80x128xf32, #tpu.memory_space<vmem>>)
      %sub3A_931 = arith.constant 3 : i32
      %sub3A_932 = arith.subi %add3A_874, %sub3A_931 : i32
      %mul3A_933 = arith.constant 80 : i32
      %mul3A_934 = arith.muli %sub3A_932, %mul3A_933 : i32
      %add3A_935 = arith.addi %mul3A_2, %mul3A_934 : i32
      %dma_start3A_936 = arith.constant 0 : i32
      %dma_start3A_937 = arith.constant 0 : i32
      %dma_start3A_938 = arith.constant 0 : i32
      %dma_start3A_939 = tpu.memref_slice %arg10[%dma_start3A_936, %dma_start3A_937, %dma_start3A_938] : memref<5x80x128xf32, #tpu.memory_space<vmem>> -> memref<1x80x128xf32, #tpu.memory_space<vmem>>
      %dma_start3A_940 = tpu.memref_squeeze %dma_start3A_939 : memref<1x80x128xf32, #tpu.memory_space<vmem>> -> memref<80x128xf32, #tpu.memory_space<vmem>>
      %dma_start3A_941 = arith.constant 0 : i32
      %dma_start3A_942 = tpu.memref_slice %arg5[%add3A_935, %dma_start3A_941] : memref<320000x128xf32, #tpu.memory_space<hbm>> -> memref<80x128xf32, #tpu.memory_space<hbm>>
      %dma_start3A_943 = arith.constant 0 : i32
      %dma_start3A_944 = tpu.memref_slice %arg5[%add3A_935, %dma_start3A_943] : memref<320000x128xf32, #tpu.memory_space<hbm>> -> memref<80x128xf32, #tpu.memory_space<hbm>>
      %dma_start3A_945 = arith.constant 0 : i32
      %dma_start3A_946 = arith.constant 0 : i32
      %dma_start3A_947 = tpu.memref_slice %arg10[%dma_start3A_936, %dma_start3A_945, %dma_start3A_946] : memref<5x80x128xf32, #tpu.memory_space<vmem>> -> memref<1x80x128xf32, #tpu.memory_space<vmem>>
      %dma_start3A_948 = tpu.memref_squeeze %dma_start3A_947 : memref<1x80x128xf32, #tpu.memory_space<vmem>> -> memref<80x128xf32, #tpu.memory_space<vmem>>
      tpu.enqueue_dma source(%dma_start3A_948 : memref<80x128xf32, #tpu.memory_space<vmem>>) target(%dma_start3A_944 : memref<80x128xf32, #tpu.memory_space<hbm>>) target_semaphore(%arg22 : memref<!tpu.dma_semaphore, #tpu.memory_space<semaphore_mem>>)
      %mul3A_949 = arith.constant 5 : i32
      %mul3A_950 = arith.muli %scan3A_637, %mul3A_949 : i32
      %add3A_951 = arith.constant 4 : i32
      %add3A_952 = arith.addi %mul3A_950, %add3A_951 : i32
      %mul3A_953 = arith.constant 80 : i32
      %mul3A_954 = arith.muli %add3A_952, %mul3A_953 : i32
      %dma_wait3A_955 = tpu.memref_slice %arg9[%mul3A_954] : memref<10000xi32, #tpu.memory_space<vmem>> -> memref<80xi32, #tpu.memory_space<vmem>>
      %dma_wait3A_956 = tpu.memref_slice %arg8[%mul3A_954] : memref<10000xi32, #tpu.memory_space<vmem>> -> memref<80xi32, #tpu.memory_space<vmem>>
      %dma_wait3A_957 = arith.constant 0 : i32
      %dma_wait3A_958 = tpu.memref_slice %arg7[%dma_wait3A_957] : memref<10000xi32, #tpu.memory_space<vmem_shared>> -> memref<10000xi32, #tpu.memory_space<vmem_shared>>
      tpu.wait_indirect_dma semaphore(%arg16 : memref<!tpu.dma_semaphore, #tpu.memory_space<semaphore_mem>>) src(%dma_wait3A_958 : memref<10000xi32, #tpu.memory_space<vmem_shared>>) dst(%dma_wait3A_955 : memref<80xi32, #tpu.memory_space<vmem>>)
      %add3A_959 = arith.constant 5 : i32
      %add3A_960 = arith.addi %add3A_952, %add3A_959 : i32
      %mul3A_961 = arith.constant 80 : i32
      %mul3A_962 = arith.muli %add3A_960, %mul3A_961 : i32
      %dma_start3A_963 = tpu.memref_slice %arg9[%mul3A_962] : memref<10000xi32, #tpu.memory_space<vmem>> -> memref<80xi32, #tpu.memory_space<vmem>>
      %dma_start3A_964 = tpu.memref_slice %arg8[%mul3A_962] : memref<10000xi32, #tpu.memory_space<vmem>> -> memref<80xi32, #tpu.memory_space<vmem>>
      %dma_start3A_965 = arith.constant 0 : i32
      %dma_start3A_966 = tpu.memref_slice %arg7[%dma_start3A_965] : memref<10000xi32, #tpu.memory_space<vmem_shared>> -> memref<10000xi32, #tpu.memory_space<vmem_shared>>
      tpu.enqueue_indirect_dma source(%dma_start3A_966 : memref<10000xi32, #tpu.memory_space<vmem_shared>>) target(%dma_start3A_963 : memref<80xi32, #tpu.memory_space<vmem>>) offsets(%dma_start3A_964 : memref<80xi32, #tpu.memory_space<vmem>>) semaphore(%arg16 : memref<!tpu.dma_semaphore, #tpu.memory_space<semaphore_mem>>)
      %sub3A_967 = arith.constant 5 : i32
      %sub3A_968 = arith.subi %add3A_952, %sub3A_967 : i32
      %mul3A_969 = arith.constant 80 : i32
      %mul3A_970 = arith.muli %sub3A_968, %mul3A_969 : i32
      %add3A_971 = arith.addi %mul3A_2, %mul3A_970 : i32
      %dma_wait3A_972 = arith.constant 4 : i32
      %dma_wait3A_973 = arith.constant 0 : i32
      %dma_wait3A_974 = arith.constant 0 : i32
      %dma_wait3A_975 = tpu.memref_slice %arg10[%dma_wait3A_972, %dma_wait3A_973, %dma_wait3A_974] : memref<5x80x128xf32, #tpu.memory_space<vmem>> -> memref<1x80x128xf32, #tpu.memory_space<vmem>>
      %dma_wait3A_976 = tpu.memref_squeeze %dma_wait3A_975 : memref<1x80x128xf32, #tpu.memory_space<vmem>> -> memref<80x128xf32, #tpu.memory_space<vmem>>
      %dma_wait3A_977 = arith.constant 0 : i32
      %dma_wait3A_978 = tpu.memref_slice %arg5[%add3A_971, %dma_wait3A_977] : memref<320000x128xf32, #tpu.memory_space<hbm>> -> memref<80x128xf32, #tpu.memory_space<hbm>>
      %dma_wait3A_979 = arith.constant 0 : i32
      %dma_wait3A_980 = tpu.memref_slice %arg5[%add3A_971, %dma_wait3A_979] : memref<320000x128xf32, #tpu.memory_space<hbm>> -> memref<80x128xf32, #tpu.memory_space<hbm>>
      %dma_wait3A_981 = arith.constant 0 : i32
      %dma_wait3A_982 = arith.constant 0 : i32
      %dma_wait3A_983 = tpu.memref_slice %arg10[%dma_wait3A_972, %dma_wait3A_981, %dma_wait3A_982] : memref<5x80x128xf32, #tpu.memory_space<vmem>> -> memref<1x80x128xf32, #tpu.memory_space<vmem>>
      %dma_wait3A_984 = tpu.memref_squeeze %dma_wait3A_983 : memref<1x80x128xf32, #tpu.memory_space<vmem>> -> memref<80x128xf32, #tpu.memory_space<vmem>>
      tpu.wait_dma2 semaphore(%arg26 : memref<!tpu.dma_semaphore, #tpu.memory_space<semaphore_mem>>) src(%dma_wait3A_984 : memref<80x128xf32, #tpu.memory_space<vmem>>) dst(%dma_wait3A_980 : memref<80x128xf32, #tpu.memory_space<hbm>>)
      %mul3A_985 = arith.constant 80 : i32
      %mul3A_986 = arith.muli %add3A_952, %mul3A_985 : i32
      %dma_start3A_987 = arith.constant 4 : i32
      %dma_start3A_988 = arith.constant 0 : i32
      %dma_start3A_989 = arith.constant 0 : i32
      %dma_start3A_990 = tpu.memref_slice %arg10[%dma_start3A_987, %dma_start3A_988, %dma_start3A_989] : memref<5x80x128xf32, #tpu.memory_space<vmem>> -> memref<1x80x128xf32, #tpu.memory_space<vmem>>
      %dma_start3A_991 = tpu.memref_squeeze %dma_start3A_990 : memref<1x80x128xf32, #tpu.memory_space<vmem>> -> memref<80x128xf32, #tpu.memory_space<vmem>>
      %dma_start3A_992 = tpu.memref_slice %arg9[%mul3A_986] : memref<10000xi32, #tpu.memory_space<vmem>> -> memref<80xi32, #tpu.memory_space<vmem>>
      %dma_start3A_993 = arith.constant 0 : i32
      %dma_start3A_994 = arith.constant 0 : i32
      %dma_start3A_995 = tpu.memref_slice %arg6[%dma_start3A_993, %dma_start3A_994] : memref<256x128xf32, #tpu.memory_space<vmem_shared>> -> memref<256x128xf32, #tpu.memory_space<vmem_shared>>
      tpu.enqueue_indirect_dma source(%dma_start3A_995 : memref<256x128xf32, #tpu.memory_space<vmem_shared>>) target(%dma_start3A_991 : memref<80x128xf32, #tpu.memory_space<vmem>>) offsets(%dma_start3A_992 : memref<80xi32, #tpu.memory_space<vmem>>) semaphore(%arg21 : memref<!tpu.dma_semaphore, #tpu.memory_space<semaphore_mem>>)
      %sub3A_996 = arith.constant 3 : i32
      %sub3A_997 = arith.subi %add3A_952, %sub3A_996 : i32
      %mul3A_998 = arith.constant 80 : i32
      %mul3A_999 = arith.muli %sub3A_997, %mul3A_998 : i32
      %dma_wait3A_1000 = arith.constant 1 : i32
      %dma_wait3A_1001 = arith.constant 0 : i32
      %dma_wait3A_1002 = arith.constant 0 : i32
      %dma_wait3A_1003 = tpu.memref_slice %arg10[%dma_wait3A_1000, %dma_wait3A_1001, %dma_wait3A_1002] : memref<5x80x128xf32, #tpu.memory_space<vmem>> -> memref<1x80x128xf32, #tpu.memory_space<vmem>>
      %dma_wait3A_1004 = tpu.memref_squeeze %dma_wait3A_1003 : memref<1x80x128xf32, #tpu.memory_space<vmem>> -> memref<80x128xf32, #tpu.memory_space<vmem>>
      %dma_wait3A_1005 = tpu.memref_slice %arg9[%mul3A_999] : memref<10000xi32, #tpu.memory_space<vmem>> -> memref<80xi32, #tpu.memory_space<vmem>>
      %dma_wait3A_1006 = arith.constant 0 : i32
      %dma_wait3A_1007 = arith.constant 0 : i32
      %dma_wait3A_1008 = tpu.memref_slice %arg6[%dma_wait3A_1006, %dma_wait3A_1007] : memref<256x128xf32, #tpu.memory_space<vmem_shared>> -> memref<256x128xf32, #tpu.memory_space<vmem_shared>>
      tpu.wait_indirect_dma semaphore(%arg18 : memref<!tpu.dma_semaphore, #tpu.memory_space<semaphore_mem>>) src(%dma_wait3A_1008 : memref<256x128xf32, #tpu.memory_space<vmem_shared>>) dst(%dma_wait3A_1004 : memref<80x128xf32, #tpu.memory_space<vmem>>)
      %sub3A_1009 = arith.constant 3 : i32
      %sub3A_1010 = arith.subi %add3A_952, %sub3A_1009 : i32
      %mul3A_1011 = arith.constant 80 : i32
      %mul3A_1012 = arith.muli %sub3A_1010, %mul3A_1011 : i32
      %add3A_1013 = arith.addi %mul3A_2, %mul3A_1012 : i32
      %dma_start3A_1014 = arith.constant 1 : i32
      %dma_start3A_1015 = arith.constant 0 : i32
      %dma_start3A_1016 = arith.constant 0 : i32
      %dma_start3A_1017 = tpu.memref_slice %arg10[%dma_start3A_1014, %dma_start3A_1015, %dma_start3A_1016] : memref<5x80x128xf32, #tpu.memory_space<vmem>> -> memref<1x80x128xf32, #tpu.memory_space<vmem>>
      %dma_start3A_1018 = tpu.memref_squeeze %dma_start3A_1017 : memref<1x80x128xf32, #tpu.memory_space<vmem>> -> memref<80x128xf32, #tpu.memory_space<vmem>>
      %dma_start3A_1019 = arith.constant 0 : i32
      %dma_start3A_1020 = tpu.memref_slice %arg5[%add3A_1013, %dma_start3A_1019] : memref<320000x128xf32, #tpu.memory_space<hbm>> -> memref<80x128xf32, #tpu.memory_space<hbm>>
      %dma_start3A_1021 = arith.constant 0 : i32
      %dma_start3A_1022 = tpu.memref_slice %arg5[%add3A_1013, %dma_start3A_1021] : memref<320000x128xf32, #tpu.memory_space<hbm>> -> memref<80x128xf32, #tpu.memory_space<hbm>>
      %dma_start3A_1023 = arith.constant 0 : i32
      %dma_start3A_1024 = arith.constant 0 : i32
      %dma_start3A_1025 = tpu.memref_slice %arg10[%dma_start3A_1014, %dma_start3A_1023, %dma_start3A_1024] : memref<5x80x128xf32, #tpu.memory_space<vmem>> -> memref<1x80x128xf32, #tpu.memory_space<vmem>>
      %dma_start3A_1026 = tpu.memref_squeeze %dma_start3A_1025 : memref<1x80x128xf32, #tpu.memory_space<vmem>> -> memref<80x128xf32, #tpu.memory_space<vmem>>
      tpu.enqueue_dma source(%dma_start3A_1026 : memref<80x128xf32, #tpu.memory_space<vmem>>) target(%dma_start3A_1022 : memref<80x128xf32, #tpu.memory_space<hbm>>) target_semaphore(%arg23 : memref<!tpu.dma_semaphore, #tpu.memory_space<semaphore_mem>>)
    }
    %scan3A_206 = arith.constant 23 : i32
    %dma_wait3A_207 = arith.constant 9600 : i32
    %dma_wait3A_208 = tpu.memref_slice %arg9[%dma_wait3A_207] : memref<10000xi32, #tpu.memory_space<vmem>> -> memref<80xi32, #tpu.memory_space<vmem>>
    %dma_wait3A_209 = arith.constant 9600 : i32
    %dma_wait3A_210 = tpu.memref_slice %arg8[%dma_wait3A_209] : memref<10000xi32, #tpu.memory_space<vmem>> -> memref<80xi32, #tpu.memory_space<vmem>>
    %dma_wait3A_211 = arith.constant 0 : i32
    %dma_wait3A_212 = tpu.memref_slice %arg7[%dma_wait3A_211] : memref<10000xi32, #tpu.memory_space<vmem_shared>> -> memref<10000xi32, #tpu.memory_space<vmem_shared>>
    tpu.wait_indirect_dma semaphore(%arg12 : memref<!tpu.dma_semaphore, #tpu.memory_space<semaphore_mem>>) src(%dma_wait3A_212 : memref<10000xi32, #tpu.memory_space<vmem_shared>>) dst(%dma_wait3A_208 : memref<80xi32, #tpu.memory_space<vmem>>)
    %add3A_213 = arith.constant 9200 : i32
    %add3A_214 = arith.addi %mul3A_2, %add3A_213 : i32
    %dma_wait3A_215 = arith.constant 0 : i32
    %dma_wait3A_216 = arith.constant 0 : i32
    %dma_wait3A_217 = arith.constant 0 : i32
    %dma_wait3A_218 = tpu.memref_slice %arg10[%dma_wait3A_215, %dma_wait3A_216, %dma_wait3A_217] : memref<5x80x128xf32, #tpu.memory_space<vmem>> -> memref<1x80x128xf32, #tpu.memory_space<vmem>>
    %dma_wait3A_219 = tpu.memref_squeeze %dma_wait3A_218 : memref<1x80x128xf32, #tpu.memory_space<vmem>> -> memref<80x128xf32, #tpu.memory_space<vmem>>
    %dma_wait3A_220 = arith.constant 0 : i32
    %dma_wait3A_221 = tpu.memref_slice %arg5[%add3A_214, %dma_wait3A_220] : memref<320000x128xf32, #tpu.memory_space<hbm>> -> memref<80x128xf32, #tpu.memory_space<hbm>>
    %dma_wait3A_222 = arith.constant 0 : i32
    %dma_wait3A_223 = tpu.memref_slice %arg5[%add3A_214, %dma_wait3A_222] : memref<320000x128xf32, #tpu.memory_space<hbm>> -> memref<80x128xf32, #tpu.memory_space<hbm>>
    %dma_wait3A_224 = arith.constant 0 : i32
    %dma_wait3A_225 = arith.constant 0 : i32
    %dma_wait3A_226 = tpu.memref_slice %arg10[%dma_wait3A_215, %dma_wait3A_224, %dma_wait3A_225] : memref<5x80x128xf32, #tpu.memory_space<vmem>> -> memref<1x80x128xf32, #tpu.memory_space<vmem>>
    %dma_wait3A_227 = tpu.memref_squeeze %dma_wait3A_226 : memref<1x80x128xf32, #tpu.memory_space<vmem>> -> memref<80x128xf32, #tpu.memory_space<vmem>>
    tpu.wait_dma2 semaphore(%arg22 : memref<!tpu.dma_semaphore, #tpu.memory_space<semaphore_mem>>) src(%dma_wait3A_227 : memref<80x128xf32, #tpu.memory_space<vmem>>) dst(%dma_wait3A_223 : memref<80x128xf32, #tpu.memory_space<hbm>>)
    %dma_start3A_228 = arith.constant 0 : i32
    %dma_start3A_229 = arith.constant 0 : i32
    %dma_start3A_230 = arith.constant 0 : i32
    %dma_start3A_231 = tpu.memref_slice %arg10[%dma_start3A_228, %dma_start3A_229, %dma_start3A_230] : memref<5x80x128xf32, #tpu.memory_space<vmem>> -> memref<1x80x128xf32, #tpu.memory_space<vmem>>
    %dma_start3A_232 = tpu.memref_squeeze %dma_start3A_231 : memref<1x80x128xf32, #tpu.memory_space<vmem>> -> memref<80x128xf32, #tpu.memory_space<vmem>>
    %dma_start3A_233 = arith.constant 9600 : i32
    %dma_start3A_234 = tpu.memref_slice %arg9[%dma_start3A_233] : memref<10000xi32, #tpu.memory_space<vmem>> -> memref<80xi32, #tpu.memory_space<vmem>>
    %dma_start3A_235 = arith.constant 0 : i32
    %dma_start3A_236 = arith.constant 0 : i32
    %dma_start3A_237 = tpu.memref_slice %arg6[%dma_start3A_235, %dma_start3A_236] : memref<256x128xf32, #tpu.memory_space<vmem_shared>> -> memref<256x128xf32, #tpu.memory_space<vmem_shared>>
    tpu.enqueue_indirect_dma source(%dma_start3A_237 : memref<256x128xf32, #tpu.memory_space<vmem_shared>>) target(%dma_start3A_232 : memref<80x128xf32, #tpu.memory_space<vmem>>) offsets(%dma_start3A_234 : memref<80xi32, #tpu.memory_space<vmem>>) semaphore(%arg17 : memref<!tpu.dma_semaphore, #tpu.memory_space<semaphore_mem>>)
    %dma_wait3A_238 = arith.constant 2 : i32
    %dma_wait3A_239 = arith.constant 0 : i32
    %dma_wait3A_240 = arith.constant 0 : i32
    %dma_wait3A_241 = tpu.memref_slice %arg10[%dma_wait3A_238, %dma_wait3A_239, %dma_wait3A_240] : memref<5x80x128xf32, #tpu.memory_space<vmem>> -> memref<1x80x128xf32, #tpu.memory_space<vmem>>
    %dma_wait3A_242 = tpu.memref_squeeze %dma_wait3A_241 : memref<1x80x128xf32, #tpu.memory_space<vmem>> -> memref<80x128xf32, #tpu.memory_space<vmem>>
    %dma_wait3A_243 = arith.constant 9360 : i32
    %dma_wait3A_244 = tpu.memref_slice %arg9[%dma_wait3A_243] : memref<10000xi32, #tpu.memory_space<vmem>> -> memref<80xi32, #tpu.memory_space<vmem>>
    %dma_wait3A_245 = arith.constant 0 : i32
    %dma_wait3A_246 = arith.constant 0 : i32
    %dma_wait3A_247 = tpu.memref_slice %arg6[%dma_wait3A_245, %dma_wait3A_246] : memref<256x128xf32, #tpu.memory_space<vmem_shared>> -> memref<256x128xf32, #tpu.memory_space<vmem_shared>>
    tpu.wait_indirect_dma semaphore(%arg19 : memref<!tpu.dma_semaphore, #tpu.memory_space<semaphore_mem>>) src(%dma_wait3A_247 : memref<256x128xf32, #tpu.memory_space<vmem_shared>>) dst(%dma_wait3A_242 : memref<80x128xf32, #tpu.memory_space<vmem>>)
    %add3A_248 = arith.constant 9360 : i32
    %add3A_249 = arith.addi %mul3A_2, %add3A_248 : i32
    %dma_start3A_250 = arith.constant 2 : i32
    %dma_start3A_251 = arith.constant 0 : i32
    %dma_start3A_252 = arith.constant 0 : i32
    %dma_start3A_253 = tpu.memref_slice %arg10[%dma_start3A_250, %dma_start3A_251, %dma_start3A_252] : memref<5x80x128xf32, #tpu.memory_space<vmem>> -> memref<1x80x128xf32, #tpu.memory_space<vmem>>
    %dma_start3A_254 = tpu.memref_squeeze %dma_start3A_253 : memref<1x80x128xf32, #tpu.memory_space<vmem>> -> memref<80x128xf32, #tpu.memory_space<vmem>>
    %dma_start3A_255 = arith.constant 0 : i32
    %dma_start3A_256 = tpu.memref_slice %arg5[%add3A_249, %dma_start3A_255] : memref<320000x128xf32, #tpu.memory_space<hbm>> -> memref<80x128xf32, #tpu.memory_space<hbm>>
    %dma_start3A_257 = arith.constant 0 : i32
    %dma_start3A_258 = tpu.memref_slice %arg5[%add3A_249, %dma_start3A_257] : memref<320000x128xf32, #tpu.memory_space<hbm>> -> memref<80x128xf32, #tpu.memory_space<hbm>>
    %dma_start3A_259 = arith.constant 0 : i32
    %dma_start3A_260 = arith.constant 0 : i32
    %dma_start3A_261 = tpu.memref_slice %arg10[%dma_start3A_250, %dma_start3A_259, %dma_start3A_260] : memref<5x80x128xf32, #tpu.memory_space<vmem>> -> memref<1x80x128xf32, #tpu.memory_space<vmem>>
    %dma_start3A_262 = tpu.memref_squeeze %dma_start3A_261 : memref<1x80x128xf32, #tpu.memory_space<vmem>> -> memref<80x128xf32, #tpu.memory_space<vmem>>
    tpu.enqueue_dma source(%dma_start3A_262 : memref<80x128xf32, #tpu.memory_space<vmem>>) target(%dma_start3A_258 : memref<80x128xf32, #tpu.memory_space<hbm>>) target_semaphore(%arg24 : memref<!tpu.dma_semaphore, #tpu.memory_space<semaphore_mem>>)
    %dma_wait3A_263 = arith.constant 9680 : i32
    %dma_wait3A_264 = tpu.memref_slice %arg9[%dma_wait3A_263] : memref<10000xi32, #tpu.memory_space<vmem>> -> memref<80xi32, #tpu.memory_space<vmem>>
    %dma_wait3A_265 = arith.constant 9680 : i32
    %dma_wait3A_266 = tpu.memref_slice %arg8[%dma_wait3A_265] : memref<10000xi32, #tpu.memory_space<vmem>> -> memref<80xi32, #tpu.memory_space<vmem>>
    %dma_wait3A_267 = arith.constant 0 : i32
    %dma_wait3A_268 = tpu.memref_slice %arg7[%dma_wait3A_267] : memref<10000xi32, #tpu.memory_space<vmem_shared>> -> memref<10000xi32, #tpu.memory_space<vmem_shared>>
    tpu.wait_indirect_dma semaphore(%arg13 : memref<!tpu.dma_semaphore, #tpu.memory_space<semaphore_mem>>) src(%dma_wait3A_268 : memref<10000xi32, #tpu.memory_space<vmem_shared>>) dst(%dma_wait3A_264 : memref<80xi32, #tpu.memory_space<vmem>>)
    %add3A_269 = arith.constant 9280 : i32
    %add3A_270 = arith.addi %mul3A_2, %add3A_269 : i32
    %dma_wait3A_271 = arith.constant 1 : i32
    %dma_wait3A_272 = arith.constant 0 : i32
    %dma_wait3A_273 = arith.constant 0 : i32
    %dma_wait3A_274 = tpu.memref_slice %arg10[%dma_wait3A_271, %dma_wait3A_272, %dma_wait3A_273] : memref<5x80x128xf32, #tpu.memory_space<vmem>> -> memref<1x80x128xf32, #tpu.memory_space<vmem>>
    %dma_wait3A_275 = tpu.memref_squeeze %dma_wait3A_274 : memref<1x80x128xf32, #tpu.memory_space<vmem>> -> memref<80x128xf32, #tpu.memory_space<vmem>>
    %dma_wait3A_276 = arith.constant 0 : i32
    %dma_wait3A_277 = tpu.memref_slice %arg5[%add3A_270, %dma_wait3A_276] : memref<320000x128xf32, #tpu.memory_space<hbm>> -> memref<80x128xf32, #tpu.memory_space<hbm>>
    %dma_wait3A_278 = arith.constant 0 : i32
    %dma_wait3A_279 = tpu.memref_slice %arg5[%add3A_270, %dma_wait3A_278] : memref<320000x128xf32, #tpu.memory_space<hbm>> -> memref<80x128xf32, #tpu.memory_space<hbm>>
    %dma_wait3A_280 = arith.constant 0 : i32
    %dma_wait3A_281 = arith.constant 0 : i32
    %dma_wait3A_282 = tpu.memref_slice %arg10[%dma_wait3A_271, %dma_wait3A_280, %dma_wait3A_281] : memref<5x80x128xf32, #tpu.memory_space<vmem>> -> memref<1x80x128xf32, #tpu.memory_space<vmem>>
    %dma_wait3A_283 = tpu.memref_squeeze %dma_wait3A_282 : memref<1x80x128xf32, #tpu.memory_space<vmem>> -> memref<80x128xf32, #tpu.memory_space<vmem>>
    tpu.wait_dma2 semaphore(%arg23 : memref<!tpu.dma_semaphore, #tpu.memory_space<semaphore_mem>>) src(%dma_wait3A_283 : memref<80x128xf32, #tpu.memory_space<vmem>>) dst(%dma_wait3A_279 : memref<80x128xf32, #tpu.memory_space<hbm>>)
    %dma_start3A_284 = arith.constant 1 : i32
    %dma_start3A_285 = arith.constant 0 : i32
    %dma_start3A_286 = arith.constant 0 : i32
    %dma_start3A_287 = tpu.memref_slice %arg10[%dma_start3A_284, %dma_start3A_285, %dma_start3A_286] : memref<5x80x128xf32, #tpu.memory_space<vmem>> -> memref<1x80x128xf32, #tpu.memory_space<vmem>>
    %dma_start3A_288 = tpu.memref_squeeze %dma_start3A_287 : memref<1x80x128xf32, #tpu.memory_space<vmem>> -> memref<80x128xf32, #tpu.memory_space<vmem>>
    %dma_start3A_289 = arith.constant 9680 : i32
    %dma_start3A_290 = tpu.memref_slice %arg9[%dma_start3A_289] : memref<10000xi32, #tpu.memory_space<vmem>> -> memref<80xi32, #tpu.memory_space<vmem>>
    %dma_start3A_291 = arith.constant 0 : i32
    %dma_start3A_292 = arith.constant 0 : i32
    %dma_start3A_293 = tpu.memref_slice %arg6[%dma_start3A_291, %dma_start3A_292] : memref<256x128xf32, #tpu.memory_space<vmem_shared>> -> memref<256x128xf32, #tpu.memory_space<vmem_shared>>
    tpu.enqueue_indirect_dma source(%dma_start3A_293 : memref<256x128xf32, #tpu.memory_space<vmem_shared>>) target(%dma_start3A_288 : memref<80x128xf32, #tpu.memory_space<vmem>>) offsets(%dma_start3A_290 : memref<80xi32, #tpu.memory_space<vmem>>) semaphore(%arg18 : memref<!tpu.dma_semaphore, #tpu.memory_space<semaphore_mem>>)
    %dma_wait3A_294 = arith.constant 3 : i32
    %dma_wait3A_295 = arith.constant 0 : i32
    %dma_wait3A_296 = arith.constant 0 : i32
    %dma_wait3A_297 = tpu.memref_slice %arg10[%dma_wait3A_294, %dma_wait3A_295, %dma_wait3A_296] : memref<5x80x128xf32, #tpu.memory_space<vmem>> -> memref<1x80x128xf32, #tpu.memory_space<vmem>>
    %dma_wait3A_298 = tpu.memref_squeeze %dma_wait3A_297 : memref<1x80x128xf32, #tpu.memory_space<vmem>> -> memref<80x128xf32, #tpu.memory_space<vmem>>
    %dma_wait3A_299 = arith.constant 9440 : i32
    %dma_wait3A_300 = tpu.memref_slice %arg9[%dma_wait3A_299] : memref<10000xi32, #tpu.memory_space<vmem>> -> memref<80xi32, #tpu.memory_space<vmem>>
    %dma_wait3A_301 = arith.constant 0 : i32
    %dma_wait3A_302 = arith.constant 0 : i32
    %dma_wait3A_303 = tpu.memref_slice %arg6[%dma_wait3A_301, %dma_wait3A_302] : memref<256x128xf32, #tpu.memory_space<vmem_shared>> -> memref<256x128xf32, #tpu.memory_space<vmem_shared>>
    tpu.wait_indirect_dma semaphore(%arg20 : memref<!tpu.dma_semaphore, #tpu.memory_space<semaphore_mem>>) src(%dma_wait3A_303 : memref<256x128xf32, #tpu.memory_space<vmem_shared>>) dst(%dma_wait3A_298 : memref<80x128xf32, #tpu.memory_space<vmem>>)
    %add3A_304 = arith.constant 9440 : i32
    %add3A_305 = arith.addi %mul3A_2, %add3A_304 : i32
    %dma_start3A_306 = arith.constant 3 : i32
    %dma_start3A_307 = arith.constant 0 : i32
    %dma_start3A_308 = arith.constant 0 : i32
    %dma_start3A_309 = tpu.memref_slice %arg10[%dma_start3A_306, %dma_start3A_307, %dma_start3A_308] : memref<5x80x128xf32, #tpu.memory_space<vmem>> -> memref<1x80x128xf32, #tpu.memory_space<vmem>>
    %dma_start3A_310 = tpu.memref_squeeze %dma_start3A_309 : memref<1x80x128xf32, #tpu.memory_space<vmem>> -> memref<80x128xf32, #tpu.memory_space<vmem>>
    %dma_start3A_311 = arith.constant 0 : i32
    %dma_start3A_312 = tpu.memref_slice %arg5[%add3A_305, %dma_start3A_311] : memref<320000x128xf32, #tpu.memory_space<hbm>> -> memref<80x128xf32, #tpu.memory_space<hbm>>
    %dma_start3A_313 = arith.constant 0 : i32
    %dma_start3A_314 = tpu.memref_slice %arg5[%add3A_305, %dma_start3A_313] : memref<320000x128xf32, #tpu.memory_space<hbm>> -> memref<80x128xf32, #tpu.memory_space<hbm>>
    %dma_start3A_315 = arith.constant 0 : i32
    %dma_start3A_316 = arith.constant 0 : i32
    %dma_start3A_317 = tpu.memref_slice %arg10[%dma_start3A_306, %dma_start3A_315, %dma_start3A_316] : memref<5x80x128xf32, #tpu.memory_space<vmem>> -> memref<1x80x128xf32, #tpu.memory_space<vmem>>
    %dma_start3A_318 = tpu.memref_squeeze %dma_start3A_317 : memref<1x80x128xf32, #tpu.memory_space<vmem>> -> memref<80x128xf32, #tpu.memory_space<vmem>>
    tpu.enqueue_dma source(%dma_start3A_318 : memref<80x128xf32, #tpu.memory_space<vmem>>) target(%dma_start3A_314 : memref<80x128xf32, #tpu.memory_space<hbm>>) target_semaphore(%arg25 : memref<!tpu.dma_semaphore, #tpu.memory_space<semaphore_mem>>)
    %dma_wait3A_319 = arith.constant 9760 : i32
    %dma_wait3A_320 = tpu.memref_slice %arg9[%dma_wait3A_319] : memref<10000xi32, #tpu.memory_space<vmem>> -> memref<80xi32, #tpu.memory_space<vmem>>
    %dma_wait3A_321 = arith.constant 9760 : i32
    %dma_wait3A_322 = tpu.memref_slice %arg8[%dma_wait3A_321] : memref<10000xi32, #tpu.memory_space<vmem>> -> memref<80xi32, #tpu.memory_space<vmem>>
    %dma_wait3A_323 = arith.constant 0 : i32
    %dma_wait3A_324 = tpu.memref_slice %arg7[%dma_wait3A_323] : memref<10000xi32, #tpu.memory_space<vmem_shared>> -> memref<10000xi32, #tpu.memory_space<vmem_shared>>
    tpu.wait_indirect_dma semaphore(%arg14 : memref<!tpu.dma_semaphore, #tpu.memory_space<semaphore_mem>>) src(%dma_wait3A_324 : memref<10000xi32, #tpu.memory_space<vmem_shared>>) dst(%dma_wait3A_320 : memref<80xi32, #tpu.memory_space<vmem>>)
    %add3A_325 = arith.constant 9360 : i32
    %add3A_326 = arith.addi %mul3A_2, %add3A_325 : i32
    %dma_wait3A_327 = arith.constant 2 : i32
    %dma_wait3A_328 = arith.constant 0 : i32
    %dma_wait3A_329 = arith.constant 0 : i32
    %dma_wait3A_330 = tpu.memref_slice %arg10[%dma_wait3A_327, %dma_wait3A_328, %dma_wait3A_329] : memref<5x80x128xf32, #tpu.memory_space<vmem>> -> memref<1x80x128xf32, #tpu.memory_space<vmem>>
    %dma_wait3A_331 = tpu.memref_squeeze %dma_wait3A_330 : memref<1x80x128xf32, #tpu.memory_space<vmem>> -> memref<80x128xf32, #tpu.memory_space<vmem>>
    %dma_wait3A_332 = arith.constant 0 : i32
    %dma_wait3A_333 = tpu.memref_slice %arg5[%add3A_326, %dma_wait3A_332] : memref<320000x128xf32, #tpu.memory_space<hbm>> -> memref<80x128xf32, #tpu.memory_space<hbm>>
    %dma_wait3A_334 = arith.constant 0 : i32
    %dma_wait3A_335 = tpu.memref_slice %arg5[%add3A_326, %dma_wait3A_334] : memref<320000x128xf32, #tpu.memory_space<hbm>> -> memref<80x128xf32, #tpu.memory_space<hbm>>
    %dma_wait3A_336 = arith.constant 0 : i32
    %dma_wait3A_337 = arith.constant 0 : i32
    %dma_wait3A_338 = tpu.memref_slice %arg10[%dma_wait3A_327, %dma_wait3A_336, %dma_wait3A_337] : memref<5x80x128xf32, #tpu.memory_space<vmem>> -> memref<1x80x128xf32, #tpu.memory_space<vmem>>
    %dma_wait3A_339 = tpu.memref_squeeze %dma_wait3A_338 : memref<1x80x128xf32, #tpu.memory_space<vmem>> -> memref<80x128xf32, #tpu.memory_space<vmem>>
    tpu.wait_dma2 semaphore(%arg24 : memref<!tpu.dma_semaphore, #tpu.memory_space<semaphore_mem>>) src(%dma_wait3A_339 : memref<80x128xf32, #tpu.memory_space<vmem>>) dst(%dma_wait3A_335 : memref<80x128xf32, #tpu.memory_space<hbm>>)
    %dma_start3A_340 = arith.constant 2 : i32
    %dma_start3A_341 = arith.constant 0 : i32
    %dma_start3A_342 = arith.constant 0 : i32
    %dma_start3A_343 = tpu.memref_slice %arg10[%dma_start3A_340, %dma_start3A_341, %dma_start3A_342] : memref<5x80x128xf32, #tpu.memory_space<vmem>> -> memref<1x80x128xf32, #tpu.memory_space<vmem>>
    %dma_start3A_344 = tpu.memref_squeeze %dma_start3A_343 : memref<1x80x128xf32, #tpu.memory_space<vmem>> -> memref<80x128xf32, #tpu.memory_space<vmem>>
    %dma_start3A_345 = arith.constant 9760 : i32
    %dma_start3A_346 = tpu.memref_slice %arg9[%dma_start3A_345] : memref<10000xi32, #tpu.memory_space<vmem>> -> memref<80xi32, #tpu.memory_space<vmem>>
    %dma_start3A_347 = arith.constant 0 : i32
    %dma_start3A_348 = arith.constant 0 : i32
    %dma_start3A_349 = tpu.memref_slice %arg6[%dma_start3A_347, %dma_start3A_348] : memref<256x128xf32, #tpu.memory_space<vmem_shared>> -> memref<256x128xf32, #tpu.memory_space<vmem_shared>>
    tpu.enqueue_indirect_dma source(%dma_start3A_349 : memref<256x128xf32, #tpu.memory_space<vmem_shared>>) target(%dma_start3A_344 : memref<80x128xf32, #tpu.memory_space<vmem>>) offsets(%dma_start3A_346 : memref<80xi32, #tpu.memory_space<vmem>>) semaphore(%arg19 : memref<!tpu.dma_semaphore, #tpu.memory_space<semaphore_mem>>)
    %dma_wait3A_350 = arith.constant 4 : i32
    %dma_wait3A_351 = arith.constant 0 : i32
    %dma_wait3A_352 = arith.constant 0 : i32
    %dma_wait3A_353 = tpu.memref_slice %arg10[%dma_wait3A_350, %dma_wait3A_351, %dma_wait3A_352] : memref<5x80x128xf32, #tpu.memory_space<vmem>> -> memref<1x80x128xf32, #tpu.memory_space<vmem>>
    %dma_wait3A_354 = tpu.memref_squeeze %dma_wait3A_353 : memref<1x80x128xf32, #tpu.memory_space<vmem>> -> memref<80x128xf32, #tpu.memory_space<vmem>>
    %dma_wait3A_355 = arith.constant 9520 : i32
    %dma_wait3A_356 = tpu.memref_slice %arg9[%dma_wait3A_355] : memref<10000xi32, #tpu.memory_space<vmem>> -> memref<80xi32, #tpu.memory_space<vmem>>
    %dma_wait3A_357 = arith.constant 0 : i32
    %dma_wait3A_358 = arith.constant 0 : i32
    %dma_wait3A_359 = tpu.memref_slice %arg6[%dma_wait3A_357, %dma_wait3A_358] : memref<256x128xf32, #tpu.memory_space<vmem_shared>> -> memref<256x128xf32, #tpu.memory_space<vmem_shared>>
    tpu.wait_indirect_dma semaphore(%arg21 : memref<!tpu.dma_semaphore, #tpu.memory_space<semaphore_mem>>) src(%dma_wait3A_359 : memref<256x128xf32, #tpu.memory_space<vmem_shared>>) dst(%dma_wait3A_354 : memref<80x128xf32, #tpu.memory_space<vmem>>)
    %add3A_360 = arith.constant 9520 : i32
    %add3A_361 = arith.addi %mul3A_2, %add3A_360 : i32
    %dma_start3A_362 = arith.constant 4 : i32
    %dma_start3A_363 = arith.constant 0 : i32
    %dma_start3A_364 = arith.constant 0 : i32
    %dma_start3A_365 = tpu.memref_slice %arg10[%dma_start3A_362, %dma_start3A_363, %dma_start3A_364] : memref<5x80x128xf32, #tpu.memory_space<vmem>> -> memref<1x80x128xf32, #tpu.memory_space<vmem>>
    %dma_start3A_366 = tpu.memref_squeeze %dma_start3A_365 : memref<1x80x128xf32, #tpu.memory_space<vmem>> -> memref<80x128xf32, #tpu.memory_space<vmem>>
    %dma_start3A_367 = arith.constant 0 : i32
    %dma_start3A_368 = tpu.memref_slice %arg5[%add3A_361, %dma_start3A_367] : memref<320000x128xf32, #tpu.memory_space<hbm>> -> memref<80x128xf32, #tpu.memory_space<hbm>>
    %dma_start3A_369 = arith.constant 0 : i32
    %dma_start3A_370 = tpu.memref_slice %arg5[%add3A_361, %dma_start3A_369] : memref<320000x128xf32, #tpu.memory_space<hbm>> -> memref<80x128xf32, #tpu.memory_space<hbm>>
    %dma_start3A_371 = arith.constant 0 : i32
    %dma_start3A_372 = arith.constant 0 : i32
    %dma_start3A_373 = tpu.memref_slice %arg10[%dma_start3A_362, %dma_start3A_371, %dma_start3A_372] : memref<5x80x128xf32, #tpu.memory_space<vmem>> -> memref<1x80x128xf32, #tpu.memory_space<vmem>>
    %dma_start3A_374 = tpu.memref_squeeze %dma_start3A_373 : memref<1x80x128xf32, #tpu.memory_space<vmem>> -> memref<80x128xf32, #tpu.memory_space<vmem>>
    tpu.enqueue_dma source(%dma_start3A_374 : memref<80x128xf32, #tpu.memory_space<vmem>>) target(%dma_start3A_370 : memref<80x128xf32, #tpu.memory_space<hbm>>) target_semaphore(%arg26 : memref<!tpu.dma_semaphore, #tpu.memory_space<semaphore_mem>>)
    %dma_wait3A_375 = arith.constant 9840 : i32
    %dma_wait3A_376 = tpu.memref_slice %arg9[%dma_wait3A_375] : memref<10000xi32, #tpu.memory_space<vmem>> -> memref<80xi32, #tpu.memory_space<vmem>>
    %dma_wait3A_377 = arith.constant 9840 : i32
    %dma_wait3A_378 = tpu.memref_slice %arg8[%dma_wait3A_377] : memref<10000xi32, #tpu.memory_space<vmem>> -> memref<80xi32, #tpu.memory_space<vmem>>
    %dma_wait3A_379 = arith.constant 0 : i32
    %dma_wait3A_380 = tpu.memref_slice %arg7[%dma_wait3A_379] : memref<10000xi32, #tpu.memory_space<vmem_shared>> -> memref<10000xi32, #tpu.memory_space<vmem_shared>>
    tpu.wait_indirect_dma semaphore(%arg15 : memref<!tpu.dma_semaphore, #tpu.memory_space<semaphore_mem>>) src(%dma_wait3A_380 : memref<10000xi32, #tpu.memory_space<vmem_shared>>) dst(%dma_wait3A_376 : memref<80xi32, #tpu.memory_space<vmem>>)
    %add3A_381 = arith.constant 9440 : i32
    %add3A_382 = arith.addi %mul3A_2, %add3A_381 : i32
    %dma_wait3A_383 = arith.constant 3 : i32
    %dma_wait3A_384 = arith.constant 0 : i32
    %dma_wait3A_385 = arith.constant 0 : i32
    %dma_wait3A_386 = tpu.memref_slice %arg10[%dma_wait3A_383, %dma_wait3A_384, %dma_wait3A_385] : memref<5x80x128xf32, #tpu.memory_space<vmem>> -> memref<1x80x128xf32, #tpu.memory_space<vmem>>
    %dma_wait3A_387 = tpu.memref_squeeze %dma_wait3A_386 : memref<1x80x128xf32, #tpu.memory_space<vmem>> -> memref<80x128xf32, #tpu.memory_space<vmem>>
    %dma_wait3A_388 = arith.constant 0 : i32
    %dma_wait3A_389 = tpu.memref_slice %arg5[%add3A_382, %dma_wait3A_388] : memref<320000x128xf32, #tpu.memory_space<hbm>> -> memref<80x128xf32, #tpu.memory_space<hbm>>
    %dma_wait3A_390 = arith.constant 0 : i32
    %dma_wait3A_391 = tpu.memref_slice %arg5[%add3A_382, %dma_wait3A_390] : memref<320000x128xf32, #tpu.memory_space<hbm>> -> memref<80x128xf32, #tpu.memory_space<hbm>>
    %dma_wait3A_392 = arith.constant 0 : i32
    %dma_wait3A_393 = arith.constant 0 : i32
    %dma_wait3A_394 = tpu.memref_slice %arg10[%dma_wait3A_383, %dma_wait3A_392, %dma_wait3A_393] : memref<5x80x128xf32, #tpu.memory_space<vmem>> -> memref<1x80x128xf32, #tpu.memory_space<vmem>>
    %dma_wait3A_395 = tpu.memref_squeeze %dma_wait3A_394 : memref<1x80x128xf32, #tpu.memory_space<vmem>> -> memref<80x128xf32, #tpu.memory_space<vmem>>
    tpu.wait_dma2 semaphore(%arg25 : memref<!tpu.dma_semaphore, #tpu.memory_space<semaphore_mem>>) src(%dma_wait3A_395 : memref<80x128xf32, #tpu.memory_space<vmem>>) dst(%dma_wait3A_391 : memref<80x128xf32, #tpu.memory_space<hbm>>)
    %dma_start3A_396 = arith.constant 3 : i32
    %dma_start3A_397 = arith.constant 0 : i32
    %dma_start3A_398 = arith.constant 0 : i32
    %dma_start3A_399 = tpu.memref_slice %arg10[%dma_start3A_396, %dma_start3A_397, %dma_start3A_398] : memref<5x80x128xf32, #tpu.memory_space<vmem>> -> memref<1x80x128xf32, #tpu.memory_space<vmem>>
    %dma_start3A_400 = tpu.memref_squeeze %dma_start3A_399 : memref<1x80x128xf32, #tpu.memory_space<vmem>> -> memref<80x128xf32, #tpu.memory_space<vmem>>
    %dma_start3A_401 = arith.constant 9840 : i32
    %dma_start3A_402 = tpu.memref_slice %arg9[%dma_start3A_401] : memref<10000xi32, #tpu.memory_space<vmem>> -> memref<80xi32, #tpu.memory_space<vmem>>
    %dma_start3A_403 = arith.constant 0 : i32
    %dma_start3A_404 = arith.constant 0 : i32
    %dma_start3A_405 = tpu.memref_slice %arg6[%dma_start3A_403, %dma_start3A_404] : memref<256x128xf32, #tpu.memory_space<vmem_shared>> -> memref<256x128xf32, #tpu.memory_space<vmem_shared>>
    tpu.enqueue_indirect_dma source(%dma_start3A_405 : memref<256x128xf32, #tpu.memory_space<vmem_shared>>) target(%dma_start3A_400 : memref<80x128xf32, #tpu.memory_space<vmem>>) offsets(%dma_start3A_402 : memref<80xi32, #tpu.memory_space<vmem>>) semaphore(%arg20 : memref<!tpu.dma_semaphore, #tpu.memory_space<semaphore_mem>>)
    %dma_wait3A_406 = arith.constant 0 : i32
    %dma_wait3A_407 = arith.constant 0 : i32
    %dma_wait3A_408 = arith.constant 0 : i32
    %dma_wait3A_409 = tpu.memref_slice %arg10[%dma_wait3A_406, %dma_wait3A_407, %dma_wait3A_408] : memref<5x80x128xf32, #tpu.memory_space<vmem>> -> memref<1x80x128xf32, #tpu.memory_space<vmem>>
    %dma_wait3A_410 = tpu.memref_squeeze %dma_wait3A_409 : memref<1x80x128xf32, #tpu.memory_space<vmem>> -> memref<80x128xf32, #tpu.memory_space<vmem>>
    %dma_wait3A_411 = arith.constant 9600 : i32
    %dma_wait3A_412 = tpu.memref_slice %arg9[%dma_wait3A_411] : memref<10000xi32, #tpu.memory_space<vmem>> -> memref<80xi32, #tpu.memory_space<vmem>>
    %dma_wait3A_413 = arith.constant 0 : i32
    %dma_wait3A_414 = arith.constant 0 : i32
    %dma_wait3A_415 = tpu.memref_slice %arg6[%dma_wait3A_413, %dma_wait3A_414] : memref<256x128xf32, #tpu.memory_space<vmem_shared>> -> memref<256x128xf32, #tpu.memory_space<vmem_shared>>
    tpu.wait_indirect_dma semaphore(%arg17 : memref<!tpu.dma_semaphore, #tpu.memory_space<semaphore_mem>>) src(%dma_wait3A_415 : memref<256x128xf32, #tpu.memory_space<vmem_shared>>) dst(%dma_wait3A_410 : memref<80x128xf32, #tpu.memory_space<vmem>>)
    %add3A_416 = arith.constant 9600 : i32
    %add3A_417 = arith.addi %mul3A_2, %add3A_416 : i32
    %dma_start3A_418 = arith.constant 0 : i32
    %dma_start3A_419 = arith.constant 0 : i32
    %dma_start3A_420 = arith.constant 0 : i32
    %dma_start3A_421 = tpu.memref_slice %arg10[%dma_start3A_418, %dma_start3A_419, %dma_start3A_420] : memref<5x80x128xf32, #tpu.memory_space<vmem>> -> memref<1x80x128xf32, #tpu.memory_space<vmem>>
    %dma_start3A_422 = tpu.memref_squeeze %dma_start3A_421 : memref<1x80x128xf32, #tpu.memory_space<vmem>> -> memref<80x128xf32, #tpu.memory_space<vmem>>
    %dma_start3A_423 = arith.constant 0 : i32
    %dma_start3A_424 = tpu.memref_slice %arg5[%add3A_417, %dma_start3A_423] : memref<320000x128xf32, #tpu.memory_space<hbm>> -> memref<80x128xf32, #tpu.memory_space<hbm>>
    %dma_start3A_425 = arith.constant 0 : i32
    %dma_start3A_426 = tpu.memref_slice %arg5[%add3A_417, %dma_start3A_425] : memref<320000x128xf32, #tpu.memory_space<hbm>> -> memref<80x128xf32, #tpu.memory_space<hbm>>
    %dma_start3A_427 = arith.constant 0 : i32
    %dma_start3A_428 = arith.constant 0 : i32
    %dma_start3A_429 = tpu.memref_slice %arg10[%dma_start3A_418, %dma_start3A_427, %dma_start3A_428] : memref<5x80x128xf32, #tpu.memory_space<vmem>> -> memref<1x80x128xf32, #tpu.memory_space<vmem>>
    %dma_start3A_430 = tpu.memref_squeeze %dma_start3A_429 : memref<1x80x128xf32, #tpu.memory_space<vmem>> -> memref<80x128xf32, #tpu.memory_space<vmem>>
    tpu.enqueue_dma source(%dma_start3A_430 : memref<80x128xf32, #tpu.memory_space<vmem>>) target(%dma_start3A_426 : memref<80x128xf32, #tpu.memory_space<hbm>>) target_semaphore(%arg22 : memref<!tpu.dma_semaphore, #tpu.memory_space<semaphore_mem>>)
    %dma_wait3A_431 = arith.constant 9920 : i32
    %dma_wait3A_432 = tpu.memref_slice %arg9[%dma_wait3A_431] : memref<10000xi32, #tpu.memory_space<vmem>> -> memref<80xi32, #tpu.memory_space<vmem>>
    %dma_wait3A_433 = arith.constant 9920 : i32
    %dma_wait3A_434 = tpu.memref_slice %arg8[%dma_wait3A_433] : memref<10000xi32, #tpu.memory_space<vmem>> -> memref<80xi32, #tpu.memory_space<vmem>>
    %dma_wait3A_435 = arith.constant 0 : i32
    %dma_wait3A_436 = tpu.memref_slice %arg7[%dma_wait3A_435] : memref<10000xi32, #tpu.memory_space<vmem_shared>> -> memref<10000xi32, #tpu.memory_space<vmem_shared>>
    tpu.wait_indirect_dma semaphore(%arg16 : memref<!tpu.dma_semaphore, #tpu.memory_space<semaphore_mem>>) src(%dma_wait3A_436 : memref<10000xi32, #tpu.memory_space<vmem_shared>>) dst(%dma_wait3A_432 : memref<80xi32, #tpu.memory_space<vmem>>)
    %add3A_437 = arith.constant 9520 : i32
    %add3A_438 = arith.addi %mul3A_2, %add3A_437 : i32
    %dma_wait3A_439 = arith.constant 4 : i32
    %dma_wait3A_440 = arith.constant 0 : i32
    %dma_wait3A_441 = arith.constant 0 : i32
    %dma_wait3A_442 = tpu.memref_slice %arg10[%dma_wait3A_439, %dma_wait3A_440, %dma_wait3A_441] : memref<5x80x128xf32, #tpu.memory_space<vmem>> -> memref<1x80x128xf32, #tpu.memory_space<vmem>>
    %dma_wait3A_443 = tpu.memref_squeeze %dma_wait3A_442 : memref<1x80x128xf32, #tpu.memory_space<vmem>> -> memref<80x128xf32, #tpu.memory_space<vmem>>
    %dma_wait3A_444 = arith.constant 0 : i32
    %dma_wait3A_445 = tpu.memref_slice %arg5[%add3A_438, %dma_wait3A_444] : memref<320000x128xf32, #tpu.memory_space<hbm>> -> memref<80x128xf32, #tpu.memory_space<hbm>>
    %dma_wait3A_446 = arith.constant 0 : i32
    %dma_wait3A_447 = tpu.memref_slice %arg5[%add3A_438, %dma_wait3A_446] : memref<320000x128xf32, #tpu.memory_space<hbm>> -> memref<80x128xf32, #tpu.memory_space<hbm>>
    %dma_wait3A_448 = arith.constant 0 : i32
    %dma_wait3A_449 = arith.constant 0 : i32
    %dma_wait3A_450 = tpu.memref_slice %arg10[%dma_wait3A_439, %dma_wait3A_448, %dma_wait3A_449] : memref<5x80x128xf32, #tpu.memory_space<vmem>> -> memref<1x80x128xf32, #tpu.memory_space<vmem>>
    %dma_wait3A_451 = tpu.memref_squeeze %dma_wait3A_450 : memref<1x80x128xf32, #tpu.memory_space<vmem>> -> memref<80x128xf32, #tpu.memory_space<vmem>>
    tpu.wait_dma2 semaphore(%arg26 : memref<!tpu.dma_semaphore, #tpu.memory_space<semaphore_mem>>) src(%dma_wait3A_451 : memref<80x128xf32, #tpu.memory_space<vmem>>) dst(%dma_wait3A_447 : memref<80x128xf32, #tpu.memory_space<hbm>>)
    %dma_start3A_452 = arith.constant 4 : i32
    %dma_start3A_453 = arith.constant 0 : i32
    %dma_start3A_454 = arith.constant 0 : i32
    %dma_start3A_455 = tpu.memref_slice %arg10[%dma_start3A_452, %dma_start3A_453, %dma_start3A_454] : memref<5x80x128xf32, #tpu.memory_space<vmem>> -> memref<1x80x128xf32, #tpu.memory_space<vmem>>
    %dma_start3A_456 = tpu.memref_squeeze %dma_start3A_455 : memref<1x80x128xf32, #tpu.memory_space<vmem>> -> memref<80x128xf32, #tpu.memory_space<vmem>>
    %dma_start3A_457 = arith.constant 9920 : i32
    %dma_start3A_458 = tpu.memref_slice %arg9[%dma_start3A_457] : memref<10000xi32, #tpu.memory_space<vmem>> -> memref<80xi32, #tpu.memory_space<vmem>>
    %dma_start3A_459 = arith.constant 0 : i32
    %dma_start3A_460 = arith.constant 0 : i32
    %dma_start3A_461 = tpu.memref_slice %arg6[%dma_start3A_459, %dma_start3A_460] : memref<256x128xf32, #tpu.memory_space<vmem_shared>> -> memref<256x128xf32, #tpu.memory_space<vmem_shared>>
    tpu.enqueue_indirect_dma source(%dma_start3A_461 : memref<256x128xf32, #tpu.memory_space<vmem_shared>>) target(%dma_start3A_456 : memref<80x128xf32, #tpu.memory_space<vmem>>) offsets(%dma_start3A_458 : memref<80xi32, #tpu.memory_space<vmem>>) semaphore(%arg21 : memref<!tpu.dma_semaphore, #tpu.memory_space<semaphore_mem>>)
    %dma_wait3A_462 = arith.constant 1 : i32
    %dma_wait3A_463 = arith.constant 0 : i32
    %dma_wait3A_464 = arith.constant 0 : i32
    %dma_wait3A_465 = tpu.memref_slice %arg10[%dma_wait3A_462, %dma_wait3A_463, %dma_wait3A_464] : memref<5x80x128xf32, #tpu.memory_space<vmem>> -> memref<1x80x128xf32, #tpu.memory_space<vmem>>
    %dma_wait3A_466 = tpu.memref_squeeze %dma_wait3A_465 : memref<1x80x128xf32, #tpu.memory_space<vmem>> -> memref<80x128xf32, #tpu.memory_space<vmem>>
    %dma_wait3A_467 = arith.constant 9680 : i32
    %dma_wait3A_468 = tpu.memref_slice %arg9[%dma_wait3A_467] : memref<10000xi32, #tpu.memory_space<vmem>> -> memref<80xi32, #tpu.memory_space<vmem>>
    %dma_wait3A_469 = arith.constant 0 : i32
    %dma_wait3A_470 = arith.constant 0 : i32
    %dma_wait3A_471 = tpu.memref_slice %arg6[%dma_wait3A_469, %dma_wait3A_470] : memref<256x128xf32, #tpu.memory_space<vmem_shared>> -> memref<256x128xf32, #tpu.memory_space<vmem_shared>>
    tpu.wait_indirect_dma semaphore(%arg18 : memref<!tpu.dma_semaphore, #tpu.memory_space<semaphore_mem>>) src(%dma_wait3A_471 : memref<256x128xf32, #tpu.memory_space<vmem_shared>>) dst(%dma_wait3A_466 : memref<80x128xf32, #tpu.memory_space<vmem>>)
    %add3A_472 = arith.constant 9680 : i32
    %add3A_473 = arith.addi %mul3A_2, %add3A_472 : i32
    %dma_start3A_474 = arith.constant 1 : i32
    %dma_start3A_475 = arith.constant 0 : i32
    %dma_start3A_476 = arith.constant 0 : i32
    %dma_start3A_477 = tpu.memref_slice %arg10[%dma_start3A_474, %dma_start3A_475, %dma_start3A_476] : memref<5x80x128xf32, #tpu.memory_space<vmem>> -> memref<1x80x128xf32, #tpu.memory_space<vmem>>
    %dma_start3A_478 = tpu.memref_squeeze %dma_start3A_477 : memref<1x80x128xf32, #tpu.memory_space<vmem>> -> memref<80x128xf32, #tpu.memory_space<vmem>>
    %dma_start3A_479 = arith.constant 0 : i32
    %dma_start3A_480 = tpu.memref_slice %arg5[%add3A_473, %dma_start3A_479] : memref<320000x128xf32, #tpu.memory_space<hbm>> -> memref<80x128xf32, #tpu.memory_space<hbm>>
    %dma_start3A_481 = arith.constant 0 : i32
    %dma_start3A_482 = tpu.memref_slice %arg5[%add3A_473, %dma_start3A_481] : memref<320000x128xf32, #tpu.memory_space<hbm>> -> memref<80x128xf32, #tpu.memory_space<hbm>>
    %dma_start3A_483 = arith.constant 0 : i32
    %dma_start3A_484 = arith.constant 0 : i32
    %dma_start3A_485 = tpu.memref_slice %arg10[%dma_start3A_474, %dma_start3A_483, %dma_start3A_484] : memref<5x80x128xf32, #tpu.memory_space<vmem>> -> memref<1x80x128xf32, #tpu.memory_space<vmem>>
    %dma_start3A_486 = tpu.memref_squeeze %dma_start3A_485 : memref<1x80x128xf32, #tpu.memory_space<vmem>> -> memref<80x128xf32, #tpu.memory_space<vmem>>
    tpu.enqueue_dma source(%dma_start3A_486 : memref<80x128xf32, #tpu.memory_space<vmem>>) target(%dma_start3A_482 : memref<80x128xf32, #tpu.memory_space<hbm>>) target_semaphore(%arg23 : memref<!tpu.dma_semaphore, #tpu.memory_space<semaphore_mem>>)
    %dma_wait3A_487 = arith.constant 2 : i32
    %dma_wait3A_488 = arith.constant 0 : i32
    %dma_wait3A_489 = arith.constant 0 : i32
    %dma_wait3A_490 = tpu.memref_slice %arg10[%dma_wait3A_487, %dma_wait3A_488, %dma_wait3A_489] : memref<5x80x128xf32, #tpu.memory_space<vmem>> -> memref<1x80x128xf32, #tpu.memory_space<vmem>>
    %dma_wait3A_491 = tpu.memref_squeeze %dma_wait3A_490 : memref<1x80x128xf32, #tpu.memory_space<vmem>> -> memref<80x128xf32, #tpu.memory_space<vmem>>
    %dma_wait3A_492 = arith.constant 9760 : i32
    %dma_wait3A_493 = tpu.memref_slice %arg9[%dma_wait3A_492] : memref<10000xi32, #tpu.memory_space<vmem>> -> memref<80xi32, #tpu.memory_space<vmem>>
    %dma_wait3A_494 = arith.constant 0 : i32
    %dma_wait3A_495 = arith.constant 0 : i32
    %dma_wait3A_496 = tpu.memref_slice %arg6[%dma_wait3A_494, %dma_wait3A_495] : memref<256x128xf32, #tpu.memory_space<vmem_shared>> -> memref<256x128xf32, #tpu.memory_space<vmem_shared>>
    tpu.wait_indirect_dma semaphore(%arg19 : memref<!tpu.dma_semaphore, #tpu.memory_space<semaphore_mem>>) src(%dma_wait3A_496 : memref<256x128xf32, #tpu.memory_space<vmem_shared>>) dst(%dma_wait3A_491 : memref<80x128xf32, #tpu.memory_space<vmem>>)
    %add3A_497 = arith.constant 9760 : i32
    %add3A_498 = arith.addi %mul3A_2, %add3A_497 : i32
    %dma_start3A_499 = arith.constant 2 : i32
    %dma_start3A_500 = arith.constant 0 : i32
    %dma_start3A_501 = arith.constant 0 : i32
    %dma_start3A_502 = tpu.memref_slice %arg10[%dma_start3A_499, %dma_start3A_500, %dma_start3A_501] : memref<5x80x128xf32, #tpu.memory_space<vmem>> -> memref<1x80x128xf32, #tpu.memory_space<vmem>>
    %dma_start3A_503 = tpu.memref_squeeze %dma_start3A_502 : memref<1x80x128xf32, #tpu.memory_space<vmem>> -> memref<80x128xf32, #tpu.memory_space<vmem>>
    %dma_start3A_504 = arith.constant 0 : i32
    %dma_start3A_505 = tpu.memref_slice %arg5[%add3A_498, %dma_start3A_504] : memref<320000x128xf32, #tpu.memory_space<hbm>> -> memref<80x128xf32, #tpu.memory_space<hbm>>
    %dma_start3A_506 = arith.constant 0 : i32
    %dma_start3A_507 = tpu.memref_slice %arg5[%add3A_498, %dma_start3A_506] : memref<320000x128xf32, #tpu.memory_space<hbm>> -> memref<80x128xf32, #tpu.memory_space<hbm>>
    %dma_start3A_508 = arith.constant 0 : i32
    %dma_start3A_509 = arith.constant 0 : i32
    %dma_start3A_510 = tpu.memref_slice %arg10[%dma_start3A_499, %dma_start3A_508, %dma_start3A_509] : memref<5x80x128xf32, #tpu.memory_space<vmem>> -> memref<1x80x128xf32, #tpu.memory_space<vmem>>
    %dma_start3A_511 = tpu.memref_squeeze %dma_start3A_510 : memref<1x80x128xf32, #tpu.memory_space<vmem>> -> memref<80x128xf32, #tpu.memory_space<vmem>>
    tpu.enqueue_dma source(%dma_start3A_511 : memref<80x128xf32, #tpu.memory_space<vmem>>) target(%dma_start3A_507 : memref<80x128xf32, #tpu.memory_space<hbm>>) target_semaphore(%arg24 : memref<!tpu.dma_semaphore, #tpu.memory_space<semaphore_mem>>)
    %dma_wait3A_512 = arith.constant 3 : i32
    %dma_wait3A_513 = arith.constant 0 : i32
    %dma_wait3A_514 = arith.constant 0 : i32
    %dma_wait3A_515 = tpu.memref_slice %arg10[%dma_wait3A_512, %dma_wait3A_513, %dma_wait3A_514] : memref<5x80x128xf32, #tpu.memory_space<vmem>> -> memref<1x80x128xf32, #tpu.memory_space<vmem>>
    %dma_wait3A_516 = tpu.memref_squeeze %dma_wait3A_515 : memref<1x80x128xf32, #tpu.memory_space<vmem>> -> memref<80x128xf32, #tpu.memory_space<vmem>>
    %dma_wait3A_517 = arith.constant 9840 : i32
    %dma_wait3A_518 = tpu.memref_slice %arg9[%dma_wait3A_517] : memref<10000xi32, #tpu.memory_space<vmem>> -> memref<80xi32, #tpu.memory_space<vmem>>
    %dma_wait3A_519 = arith.constant 0 : i32
    %dma_wait3A_520 = arith.constant 0 : i32
    %dma_wait3A_521 = tpu.memref_slice %arg6[%dma_wait3A_519, %dma_wait3A_520] : memref<256x128xf32, #tpu.memory_space<vmem_shared>> -> memref<256x128xf32, #tpu.memory_space<vmem_shared>>
    tpu.wait_indirect_dma semaphore(%arg20 : memref<!tpu.dma_semaphore, #tpu.memory_space<semaphore_mem>>) src(%dma_wait3A_521 : memref<256x128xf32, #tpu.memory_space<vmem_shared>>) dst(%dma_wait3A_516 : memref<80x128xf32, #tpu.memory_space<vmem>>)
    %add3A_522 = arith.constant 9840 : i32
    %add3A_523 = arith.addi %mul3A_2, %add3A_522 : i32
    %dma_start3A_524 = arith.constant 3 : i32
    %dma_start3A_525 = arith.constant 0 : i32
    %dma_start3A_526 = arith.constant 0 : i32
    %dma_start3A_527 = tpu.memref_slice %arg10[%dma_start3A_524, %dma_start3A_525, %dma_start3A_526] : memref<5x80x128xf32, #tpu.memory_space<vmem>> -> memref<1x80x128xf32, #tpu.memory_space<vmem>>
    %dma_start3A_528 = tpu.memref_squeeze %dma_start3A_527 : memref<1x80x128xf32, #tpu.memory_space<vmem>> -> memref<80x128xf32, #tpu.memory_space<vmem>>
    %dma_start3A_529 = arith.constant 0 : i32
    %dma_start3A_530 = tpu.memref_slice %arg5[%add3A_523, %dma_start3A_529] : memref<320000x128xf32, #tpu.memory_space<hbm>> -> memref<80x128xf32, #tpu.memory_space<hbm>>
    %dma_start3A_531 = arith.constant 0 : i32
    %dma_start3A_532 = tpu.memref_slice %arg5[%add3A_523, %dma_start3A_531] : memref<320000x128xf32, #tpu.memory_space<hbm>> -> memref<80x128xf32, #tpu.memory_space<hbm>>
    %dma_start3A_533 = arith.constant 0 : i32
    %dma_start3A_534 = arith.constant 0 : i32
    %dma_start3A_535 = tpu.memref_slice %arg10[%dma_start3A_524, %dma_start3A_533, %dma_start3A_534] : memref<5x80x128xf32, #tpu.memory_space<vmem>> -> memref<1x80x128xf32, #tpu.memory_space<vmem>>
    %dma_start3A_536 = tpu.memref_squeeze %dma_start3A_535 : memref<1x80x128xf32, #tpu.memory_space<vmem>> -> memref<80x128xf32, #tpu.memory_space<vmem>>
    tpu.enqueue_dma source(%dma_start3A_536 : memref<80x128xf32, #tpu.memory_space<vmem>>) target(%dma_start3A_532 : memref<80x128xf32, #tpu.memory_space<hbm>>) target_semaphore(%arg25 : memref<!tpu.dma_semaphore, #tpu.memory_space<semaphore_mem>>)
    %dma_wait3A_537 = arith.constant 4 : i32
    %dma_wait3A_538 = arith.constant 0 : i32
    %dma_wait3A_539 = arith.constant 0 : i32
    %dma_wait3A_540 = tpu.memref_slice %arg10[%dma_wait3A_537, %dma_wait3A_538, %dma_wait3A_539] : memref<5x80x128xf32, #tpu.memory_space<vmem>> -> memref<1x80x128xf32, #tpu.memory_space<vmem>>
    %dma_wait3A_541 = tpu.memref_squeeze %dma_wait3A_540 : memref<1x80x128xf32, #tpu.memory_space<vmem>> -> memref<80x128xf32, #tpu.memory_space<vmem>>
    %dma_wait3A_542 = arith.constant 9920 : i32
    %dma_wait3A_543 = tpu.memref_slice %arg9[%dma_wait3A_542] : memref<10000xi32, #tpu.memory_space<vmem>> -> memref<80xi32, #tpu.memory_space<vmem>>
    %dma_wait3A_544 = arith.constant 0 : i32
    %dma_wait3A_545 = arith.constant 0 : i32
    %dma_wait3A_546 = tpu.memref_slice %arg6[%dma_wait3A_544, %dma_wait3A_545] : memref<256x128xf32, #tpu.memory_space<vmem_shared>> -> memref<256x128xf32, #tpu.memory_space<vmem_shared>>
    tpu.wait_indirect_dma semaphore(%arg21 : memref<!tpu.dma_semaphore, #tpu.memory_space<semaphore_mem>>) src(%dma_wait3A_546 : memref<256x128xf32, #tpu.memory_space<vmem_shared>>) dst(%dma_wait3A_541 : memref<80x128xf32, #tpu.memory_space<vmem>>)
    %add3A_547 = arith.constant 9920 : i32
    %add3A_548 = arith.addi %mul3A_2, %add3A_547 : i32
    %dma_start3A_549 = arith.constant 4 : i32
    %dma_start3A_550 = arith.constant 0 : i32
    %dma_start3A_551 = arith.constant 0 : i32
    %dma_start3A_552 = tpu.memref_slice %arg10[%dma_start3A_549, %dma_start3A_550, %dma_start3A_551] : memref<5x80x128xf32, #tpu.memory_space<vmem>> -> memref<1x80x128xf32, #tpu.memory_space<vmem>>
    %dma_start3A_553 = tpu.memref_squeeze %dma_start3A_552 : memref<1x80x128xf32, #tpu.memory_space<vmem>> -> memref<80x128xf32, #tpu.memory_space<vmem>>
    %dma_start3A_554 = arith.constant 0 : i32
    %dma_start3A_555 = tpu.memref_slice %arg5[%add3A_548, %dma_start3A_554] : memref<320000x128xf32, #tpu.memory_space<hbm>> -> memref<80x128xf32, #tpu.memory_space<hbm>>
    %dma_start3A_556 = arith.constant 0 : i32
    %dma_start3A_557 = tpu.memref_slice %arg5[%add3A_548, %dma_start3A_556] : memref<320000x128xf32, #tpu.memory_space<hbm>> -> memref<80x128xf32, #tpu.memory_space<hbm>>
    %dma_start3A_558 = arith.constant 0 : i32
    %dma_start3A_559 = arith.constant 0 : i32
    %dma_start3A_560 = tpu.memref_slice %arg10[%dma_start3A_549, %dma_start3A_558, %dma_start3A_559] : memref<5x80x128xf32, #tpu.memory_space<vmem>> -> memref<1x80x128xf32, #tpu.memory_space<vmem>>
    %dma_start3A_561 = tpu.memref_squeeze %dma_start3A_560 : memref<1x80x128xf32, #tpu.memory_space<vmem>> -> memref<80x128xf32, #tpu.memory_space<vmem>>
    tpu.enqueue_dma source(%dma_start3A_561 : memref<80x128xf32, #tpu.memory_space<vmem>>) target(%dma_start3A_557 : memref<80x128xf32, #tpu.memory_space<hbm>>) target_semaphore(%arg26 : memref<!tpu.dma_semaphore, #tpu.memory_space<semaphore_mem>>)
    %add3A_562 = arith.constant 9600 : i32
    %add3A_563 = arith.addi %mul3A_2, %add3A_562 : i32
    %dma_wait3A_564 = arith.constant 0 : i32
    %dma_wait3A_565 = arith.constant 0 : i32
    %dma_wait3A_566 = arith.constant 0 : i32
    %dma_wait3A_567 = tpu.memref_slice %arg10[%dma_wait3A_564, %dma_wait3A_565, %dma_wait3A_566] : memref<5x80x128xf32, #tpu.memory_space<vmem>> -> memref<1x80x128xf32, #tpu.memory_space<vmem>>
    %dma_wait3A_568 = tpu.memref_squeeze %dma_wait3A_567 : memref<1x80x128xf32, #tpu.memory_space<vmem>> -> memref<80x128xf32, #tpu.memory_space<vmem>>
    %dma_wait3A_569 = arith.constant 0 : i32
    %dma_wait3A_570 = tpu.memref_slice %arg5[%add3A_563, %dma_wait3A_569] : memref<320000x128xf32, #tpu.memory_space<hbm>> -> memref<80x128xf32, #tpu.memory_space<hbm>>
    %dma_wait3A_571 = arith.constant 0 : i32
    %dma_wait3A_572 = tpu.memref_slice %arg5[%add3A_563, %dma_wait3A_571] : memref<320000x128xf32, #tpu.memory_space<hbm>> -> memref<80x128xf32, #tpu.memory_space<hbm>>
    %dma_wait3A_573 = arith.constant 0 : i32
    %dma_wait3A_574 = arith.constant 0 : i32
    %dma_wait3A_575 = tpu.memref_slice %arg10[%dma_wait3A_564, %dma_wait3A_573, %dma_wait3A_574] : memref<5x80x128xf32, #tpu.memory_space<vmem>> -> memref<1x80x128xf32, #tpu.memory_space<vmem>>
    %dma_wait3A_576 = tpu.memref_squeeze %dma_wait3A_575 : memref<1x80x128xf32, #tpu.memory_space<vmem>> -> memref<80x128xf32, #tpu.memory_space<vmem>>
    tpu.wait_dma2 semaphore(%arg22 : memref<!tpu.dma_semaphore, #tpu.memory_space<semaphore_mem>>) src(%dma_wait3A_576 : memref<80x128xf32, #tpu.memory_space<vmem>>) dst(%dma_wait3A_572 : memref<80x128xf32, #tpu.memory_space<hbm>>)
    %add3A_577 = arith.constant 9680 : i32
    %add3A_578 = arith.addi %mul3A_2, %add3A_577 : i32
    %dma_wait3A_579 = arith.constant 1 : i32
    %dma_wait3A_580 = arith.constant 0 : i32
    %dma_wait3A_581 = arith.constant 0 : i32
    %dma_wait3A_582 = tpu.memref_slice %arg10[%dma_wait3A_579, %dma_wait3A_580, %dma_wait3A_581] : memref<5x80x128xf32, #tpu.memory_space<vmem>> -> memref<1x80x128xf32, #tpu.memory_space<vmem>>
    %dma_wait3A_583 = tpu.memref_squeeze %dma_wait3A_582 : memref<1x80x128xf32, #tpu.memory_space<vmem>> -> memref<80x128xf32, #tpu.memory_space<vmem>>
    %dma_wait3A_584 = arith.constant 0 : i32
    %dma_wait3A_585 = tpu.memref_slice %arg5[%add3A_578, %dma_wait3A_584] : memref<320000x128xf32, #tpu.memory_space<hbm>> -> memref<80x128xf32, #tpu.memory_space<hbm>>
    %dma_wait3A_586 = arith.constant 0 : i32
    %dma_wait3A_587 = tpu.memref_slice %arg5[%add3A_578, %dma_wait3A_586] : memref<320000x128xf32, #tpu.memory_space<hbm>> -> memref<80x128xf32, #tpu.memory_space<hbm>>
    %dma_wait3A_588 = arith.constant 0 : i32
    %dma_wait3A_589 = arith.constant 0 : i32
    %dma_wait3A_590 = tpu.memref_slice %arg10[%dma_wait3A_579, %dma_wait3A_588, %dma_wait3A_589] : memref<5x80x128xf32, #tpu.memory_space<vmem>> -> memref<1x80x128xf32, #tpu.memory_space<vmem>>
    %dma_wait3A_591 = tpu.memref_squeeze %dma_wait3A_590 : memref<1x80x128xf32, #tpu.memory_space<vmem>> -> memref<80x128xf32, #tpu.memory_space<vmem>>
    tpu.wait_dma2 semaphore(%arg23 : memref<!tpu.dma_semaphore, #tpu.memory_space<semaphore_mem>>) src(%dma_wait3A_591 : memref<80x128xf32, #tpu.memory_space<vmem>>) dst(%dma_wait3A_587 : memref<80x128xf32, #tpu.memory_space<hbm>>)
    %add3A_592 = arith.constant 9760 : i32
    %add3A_593 = arith.addi %mul3A_2, %add3A_592 : i32
    %dma_wait3A_594 = arith.constant 2 : i32
    %dma_wait3A_595 = arith.constant 0 : i32
    %dma_wait3A_596 = arith.constant 0 : i32
    %dma_wait3A_597 = tpu.memref_slice %arg10[%dma_wait3A_594, %dma_wait3A_595, %dma_wait3A_596] : memref<5x80x128xf32, #tpu.memory_space<vmem>> -> memref<1x80x128xf32, #tpu.memory_space<vmem>>
    %dma_wait3A_598 = tpu.memref_squeeze %dma_wait3A_597 : memref<1x80x128xf32, #tpu.memory_space<vmem>> -> memref<80x128xf32, #tpu.memory_space<vmem>>
    %dma_wait3A_599 = arith.constant 0 : i32
    %dma_wait3A_600 = tpu.memref_slice %arg5[%add3A_593, %dma_wait3A_599] : memref<320000x128xf32, #tpu.memory_space<hbm>> -> memref<80x128xf32, #tpu.memory_space<hbm>>
    %dma_wait3A_601 = arith.constant 0 : i32
    %dma_wait3A_602 = tpu.memref_slice %arg5[%add3A_593, %dma_wait3A_601] : memref<320000x128xf32, #tpu.memory_space<hbm>> -> memref<80x128xf32, #tpu.memory_space<hbm>>
    %dma_wait3A_603 = arith.constant 0 : i32
    %dma_wait3A_604 = arith.constant 0 : i32
    %dma_wait3A_605 = tpu.memref_slice %arg10[%dma_wait3A_594, %dma_wait3A_603, %dma_wait3A_604] : memref<5x80x128xf32, #tpu.memory_space<vmem>> -> memref<1x80x128xf32, #tpu.memory_space<vmem>>
    %dma_wait3A_606 = tpu.memref_squeeze %dma_wait3A_605 : memref<1x80x128xf32, #tpu.memory_space<vmem>> -> memref<80x128xf32, #tpu.memory_space<vmem>>
    tpu.wait_dma2 semaphore(%arg24 : memref<!tpu.dma_semaphore, #tpu.memory_space<semaphore_mem>>) src(%dma_wait3A_606 : memref<80x128xf32, #tpu.memory_space<vmem>>) dst(%dma_wait3A_602 : memref<80x128xf32, #tpu.memory_space<hbm>>)
    %add3A_607 = arith.constant 9840 : i32
    %add3A_608 = arith.addi %mul3A_2, %add3A_607 : i32
    %dma_wait3A_609 = arith.constant 3 : i32
    %dma_wait3A_610 = arith.constant 0 : i32
    %dma_wait3A_611 = arith.constant 0 : i32
    %dma_wait3A_612 = tpu.memref_slice %arg10[%dma_wait3A_609, %dma_wait3A_610, %dma_wait3A_611] : memref<5x80x128xf32, #tpu.memory_space<vmem>> -> memref<1x80x128xf32, #tpu.memory_space<vmem>>
    %dma_wait3A_613 = tpu.memref_squeeze %dma_wait3A_612 : memref<1x80x128xf32, #tpu.memory_space<vmem>> -> memref<80x128xf32, #tpu.memory_space<vmem>>
    %dma_wait3A_614 = arith.constant 0 : i32
    %dma_wait3A_615 = tpu.memref_slice %arg5[%add3A_608, %dma_wait3A_614] : memref<320000x128xf32, #tpu.memory_space<hbm>> -> memref<80x128xf32, #tpu.memory_space<hbm>>
    %dma_wait3A_616 = arith.constant 0 : i32
    %dma_wait3A_617 = tpu.memref_slice %arg5[%add3A_608, %dma_wait3A_616] : memref<320000x128xf32, #tpu.memory_space<hbm>> -> memref<80x128xf32, #tpu.memory_space<hbm>>
    %dma_wait3A_618 = arith.constant 0 : i32
    %dma_wait3A_619 = arith.constant 0 : i32
    %dma_wait3A_620 = tpu.memref_slice %arg10[%dma_wait3A_609, %dma_wait3A_618, %dma_wait3A_619] : memref<5x80x128xf32, #tpu.memory_space<vmem>> -> memref<1x80x128xf32, #tpu.memory_space<vmem>>
    %dma_wait3A_621 = tpu.memref_squeeze %dma_wait3A_620 : memref<1x80x128xf32, #tpu.memory_space<vmem>> -> memref<80x128xf32, #tpu.memory_space<vmem>>
    tpu.wait_dma2 semaphore(%arg25 : memref<!tpu.dma_semaphore, #tpu.memory_space<semaphore_mem>>) src(%dma_wait3A_621 : memref<80x128xf32, #tpu.memory_space<vmem>>) dst(%dma_wait3A_617 : memref<80x128xf32, #tpu.memory_space<hbm>>)
    %add3A_622 = arith.constant 9920 : i32
    %add3A_623 = arith.addi %mul3A_2, %add3A_622 : i32
    %dma_wait3A_624 = arith.constant 4 : i32
    %dma_wait3A_625 = arith.constant 0 : i32
    %dma_wait3A_626 = arith.constant 0 : i32
    %dma_wait3A_627 = tpu.memref_slice %arg10[%dma_wait3A_624, %dma_wait3A_625, %dma_wait3A_626] : memref<5x80x128xf32, #tpu.memory_space<vmem>> -> memref<1x80x128xf32, #tpu.memory_space<vmem>>
    %dma_wait3A_628 = tpu.memref_squeeze %dma_wait3A_627 : memref<1x80x128xf32, #tpu.memory_space<vmem>> -> memref<80x128xf32, #tpu.memory_space<vmem>>
    %dma_wait3A_629 = arith.constant 0 : i32
    %dma_wait3A_630 = tpu.memref_slice %arg5[%add3A_623, %dma_wait3A_629] : memref<320000x128xf32, #tpu.memory_space<hbm>> -> memref<80x128xf32, #tpu.memory_space<hbm>>
    %dma_wait3A_631 = arith.constant 0 : i32
    %dma_wait3A_632 = tpu.memref_slice %arg5[%add3A_623, %dma_wait3A_631] : memref<320000x128xf32, #tpu.memory_space<hbm>> -> memref<80x128xf32, #tpu.memory_space<hbm>>
    %dma_wait3A_633 = arith.constant 0 : i32
    %dma_wait3A_634 = arith.constant 0 : i32
    %dma_wait3A_635 = tpu.memref_slice %arg10[%dma_wait3A_624, %dma_wait3A_633, %dma_wait3A_634] : memref<5x80x128xf32, #tpu.memory_space<vmem>> -> memref<1x80x128xf32, #tpu.memory_space<vmem>>
    %dma_wait3A_636 = tpu.memref_squeeze %dma_wait3A_635 : memref<1x80x128xf32, #tpu.memory_space<vmem>> -> memref<80x128xf32, #tpu.memory_space<vmem>>
    tpu.wait_dma2 semaphore(%arg26 : memref<!tpu.dma_semaphore, #tpu.memory_space<semaphore_mem>>) src(%dma_wait3A_636 : memref<80x128xf32, #tpu.memory_space<vmem>>) dst(%dma_wait3A_632 : memref<80x128xf32, #tpu.memory_space<hbm>>)
    return
  }
}

</mosaic_0001>

<sc_bundles>
// kernel: kernel.3.cloned.1.call-start
scs
__scs_entry_jumppad:
0x0: {  	(pc) =	sbr.rel $0x88, $3  }
0x1: {  	(tag) =	ssettag $0x0;
	lr =	simm.s32 $0x1  }
0x2: {  	[smem:$0x3F9E] =	sst lr;
	_ =	strace $0xD0000000  }
0x3: {  	_ = 	snop  }
0x4: {  	_ = 	snop  }
0x5: {  	_ = 	snop  }
0x6: {  	_ = 	snop  }
0x7: {  	_ = 	snop  }
__scs_overlays_trampoline_lowered:
0x8: {  	[smem:$0x3FAD] =	sst s0  }
0x9: {  	[smem:$0x3FAE] =	sst s1  }
0xa: {  	[smem:$0x3FAF] =	sst s2  }
0xb: {  	[smem:$0x3FB0] =	sst s3  }
0xc: {  	[smem:$0x3FB1] =	sst s4  }
0xd: {  	[smem:$0x3FB2] =	sst s5  }
0xe: {  	[smem:$0x3FB3] =	sst s6  }
0xf: {  	[smem:$0x3FB4] =	sst s7  }
0x10: {  	[smem:$0x3FB5] =	sst s8  }
0x11: {  	[smem:$0x3FB6] =	sst s9;
	s0 =	simm.s32 @!p0 $0x0  }
0x12: {  	s1 =	sld [smem:$0x3F9C];
	s0 =	simm.s32 @p0 $0x1  }
0x13: {  	[smem:$0x3FB7] =	sst s0;
	s0 =	simm.s32 @!p1 $0x0  }
0x14: {  	s2 =	sld [smem:$0x3F9B];
	s0 =	simm.s32 @p1 $0x1  }
0x15: {  	[smem:$0x3FB8] =	sst s0;
	s0 =	simm.s32 @!p2 $0x0  }
0x16: {  	s3 =	sld [smem:$0x3FDB];
	s0 =	simm.s32 @p2 $0x1  }
0x17: {  	s4 =	simm.s32 $0x1BF5;
	[smem:$0x3FBA] =	sst s0  }
0x18: {  	s0 =	sld [smem:$0x3F9D];
	_ =	swait.ge [sflag:s4], $0x0  }
0x19: {  	s7 =	sld [smem:$0x3F9E]  }
0x1a: {  	s8 =	sadd.s32 $0xFFFFE003, lr  }
0x1b: {  	s9 =	sadd.s32 $0xFFFFFEF7, lr;
	s5 =	simm.s32 $0xFFFFFFFF;
	p2 =	slt.u32 s8, $0xFFFFF086  }
0x1c: {  	p1 =	slt.u32 s9, $0xF7A;
	s5 =	simm.s32 @!p2 $0x0  }
0x1d: {  	s5 =	simm.s32 @p1 $0x1;
	p0 =	seq.s32 s7, s2  }
0x1e: {  	s7 =	smul.u32 @!p0 $0xF7A, s2;
	p2 =	seq.s32 @!p0 s5, $0x0  }
0x1f: {  	s9 =	smul.u32 $0xF7A, s1;
	s8 =	simm.s32 @!p0 $0x1BF5;
	p2 =	por !p2, p0  }
0x20: {  	[sflag:s8] =	ssyncset.s32 @!p0 $0xFFFFF086;
	s6 =	sadd.s32 @!p0 s3, s7;
	s7 =	simm.s32 @!p0 $0x108  }
0x21: {  	s3 =	sadd.s32 s3, s9;
	s6 =	sadd.s32 @!p0 $0x88, s6;
	s7 =	simm.s32 @p2 $0x1082  }
0x22: {  	[simem:s7], [sflag:s8] =	dma.local @!p0 [hbm:s6], $0xF7A  }
0x23: {  	s9 =	sor.u32 $0xD0000000, s2;
	s6 =	simm.s32 $0x108;
	_ =	swait.ge @!p0 [sflag:s8], $0x0  }
0x24: {  	s3 =	sadd.s32 $0x88, s3;
	s6 =	simm.s32 @!p1 $0x1082;
	[sflag:s4] =	ssyncset.s32 $0xFFFFF086  }
0x25: {  	[simem:s6], [sflag:s4] =	dma.local [hbm:s3], $0xF7A  }
0x26: {  	[smem:$0x3F9E] =	sst s1;
	(tag) =	ssettag s2;
	_ =	strace s9  }
0x27: {  	s1 =	sld [smem:$0x3FAE]  }
0x28: {  	s2 =	sld [smem:$0x3FAF]  }
0x29: {  	s4 =	sld [smem:$0x3FB1]  }
0x2a: {  	p0 =	seq.s32 s5, $0x0;
	s5 =	sld [smem:$0x3FB2]  }
0x2b: {  	s6 =	sld [smem:$0x3FB3]  }
0x2c: {  	s7 =	sld [smem:$0x3FB4]  }
0x2d: {  	s3 =	simm.s32 $0x108;
	s8 =	sld [smem:$0x3FB5]  }
0x2e: {  	s3 =	simm.s32 @!p0 $0x1082;
	s9 =	sld [smem:$0x3FB6]  }
0x2f: {  	lr =	sadd.s32 s0, s3;
	s0 =	sld [smem:$0x3FAD]  }
0x30: {  	s3 =	sld [smem:$0x3FB0]  }
0x31: {  	[smem:$0x3FB9] =	sst s10  }
0x32: {  	s10 =	sld [smem:$0x3FB7];
	_ =	sdelay $0x3  }
0x33: {  	p0 =	seq.s32 s10, $0x1;
	s10 =	sld [smem:$0x3FB9];
	_ =	sdelay $0x3  }
0x34: {  	[smem:$0x3FB9] =	sst s10  }
0x35: {  	s10 =	sld [smem:$0x3FB8];
	_ =	sdelay $0x3  }
0x36: {  	p1 =	seq.s32 s10, $0x1;
	s10 =	sld [smem:$0x3FB9];
	_ =	sdelay $0x3  }
0x37: {  	[smem:$0x3FB9] =	sst s10  }
0x38: {  	s10 =	sld [smem:$0x3FBA]  }
0x39: {  	_ = 	snop;
	(pc) =	sbr.ind lr, $3  }
0x3a: {  	_ = 	snop  }
0x3b: {  	_ = 	snop  }
0x3c: {  	p2 =	seq.s32 s10, $0x1;
	s10 =	sld [smem:$0x3FB9]  }
0x3d: {  	_ =	shalt  }
0x3e: {  	_ =	shalt  }
0x3f: {  	_ =	shalt  }
0x40: {  	_ =	shalt  }
0x41: {  	_ =	shalt  }
0x42: {  	_ =	shalt  }
0x43: {  	_ =	shalt  }
0x44: {  	_ =	shalt  }
0x45: {  	_ =	shalt  }
0x46: {  	_ =	shalt  }
0x47: {  	_ =	shalt  }
0x48: {  	_ =	shalt  }
0x49: {  	_ =	shalt  }
0x4a: {  	_ =	shalt  }
0x4b: {  	_ =	shalt  }
0x4c: {  	_ =	shalt  }
0x4d: {  	_ =	shalt  }
0x4e: {  	_ =	shalt  }
0x4f: {  	_ =	shalt  }
0x50: {  	_ =	shalt  }
0x51: {  	_ =	shalt  }
0x52: {  	_ =	shalt  }
0x53: {  	_ =	shalt  }
0x54: {  	_ =	shalt  }
0x55: {  	_ =	shalt  }
0x56: {  	_ =	shalt  }
0x57: {  	_ =	shalt  }
0x58: {  	_ =	shalt  }
0x59: {  	_ =	shalt  }
0x5a: {  	_ =	shalt  }
0x5b: {  	_ =	shalt  }
0x5c: {  	_ =	shalt  }
0x5d: {  	_ =	shalt  }
0x5e: {  	_ =	shalt  }
0x5f: {  	_ =	shalt  }
0x60: {  	_ =	shalt  }
0x61: {  	_ =	shalt  }
0x62: {  	_ =	shalt  }
0x63: {  	_ =	shalt  }
0x64: {  	_ =	shalt  }
0x65: {  	_ =	shalt  }
0x66: {  	_ =	shalt  }
0x67: {  	_ =	shalt  }
0x68: {  	_ =	shalt  }
0x69: {  	_ =	shalt  }
0x6a: {  	_ =	shalt  }
0x6b: {  	_ =	shalt  }
0x6c: {  	_ =	shalt  }
0x6d: {  	_ =	shalt  }
0x6e: {  	_ =	shalt  }
0x6f: {  	_ =	shalt  }
0x70: {  	_ =	shalt  }
0x71: {  	_ =	shalt  }
0x72: {  	_ =	shalt  }
0x73: {  	_ =	shalt  }
0x74: {  	_ =	shalt  }
0x75: {  	_ =	shalt  }
0x76: {  	_ =	shalt  }
0x77: {  	_ =	shalt  }
0x78: {  	_ =	shalt  }
0x79: {  	_ =	shalt  }
0x7a: {  	_ =	shalt  }
0x7b: {  	_ =	shalt  }
0x7c: {  	_ =	shalt  }
0x7d: {  	_ =	shalt  }
0x7e: {  	_ =	shalt  }
0x7f: {  	_ =	shalt  }
0x80: {  	_ =	shalt  }
0x81: {  	_ =	shalt  }
0x82: {  	_ =	shalt  }
0x83: {  	_ =	shalt  }
0x84: {  	_ =	shalt  }
0x85: {  	_ =	shalt  }
0x86: {  	_ =	shalt  }
0x87: {  	_ =	shalt  }
.Lfunc_end0:
.L_simem_size_0:
called_computation_lowered:
.L_overlay_start_0:
0x88: {  	s2 =	sld [smem:$0x3FD9]  }
0x89: {  	s3 =	sld [smem:$0x3FFE];
	_ =	sdelay $0x1  }
0x8a: {  	s1 =	srdreg.scid  }
0x8b: {  	s0 =	sand.u32 $0x1, s1  }
0x8c: {  	s17 =	sshll.u32 s0, $0xA;
	s2 =	sadd.s32 s3, s2  }
0x8d: {  	s2 =	sadd.s32 s2, s17  }
0x8e: {  	[smem:$0x3FC5] =	sst s2  }
0x8f: {  	_ = 	snop  }
0x90: {  	s2 =	sld [smem:$0x3FC9]  }
0x91: {  	s18 =	sld [smem:$0x3FC8]  }
0x92: {  	s4 =	sld [smem:$0x3FD0];
	(tm) =	ssettm $0x1  }
0x93: {  	s5 =	sld [smem:$0x3FFB];
	_ =	sdelay $0x3  }
0x94: {  	_ =	strace s5  }
0x95: {  	s5 =	sld [smem:$0x3FFC];
	_ =	sdelay $0x3  }
0x96: {  	_ =	strace s5  }
0x97: {  	s5 =	sld [smem:$0x3FFD];
	_ =	sdelay $0x3  }
0x98: {  	_ =	strace s5  }
0x99: {  	_ =	strace $0x8FFFFFFF  }
0x9a: {  	s19 =	sld [smem:$0x3FDB];
	_ =	sdelay $0x1  }
0x9b: {  	s6 =	simm.s32 $_scs_section_size  }
0x9c: {  	s7 =	simm.s32 $_size__tile_overlayer_lowered;
	s8 =	simm.s32 $_tile_overlayer_lowered  }
0x9d: {  	s22 =	simm.s32 $0x1BFF;
	s21 =	sshll.u32 s8, $0x1;
	s5 =	sadd.s32 s6, s19  }
0x9e: {  	s9 =	simm.s32 $0x0;
	s20 =	sshll.u32 s7, $0x1;
	s7 =	sadd.s32 s21, s5  }
0x9f: {  	[timem:s9], [sflag:s22] =	dma.local [hbm:s7], s20  }
0xa0: {  	_ =	swait.ge [sflag:s22], s20  }
0xa1: {  	s6 =	ssub.s32 $0x0, s20;
	[sflag:s22] =	ssyncset.done $0x0  }
0xa2: {  	[sflag:s22] =	ssyncadd.s32 s6;
	_ =	sdelay $0x1  }
0xa3: {  	s23 =	simm.s32 $0x1B8B  }
0xa4: {  	_ =	swait.ge [sflag:s23], $0x1  }
0xa5: {  	[sflag:s23] =	ssyncset.done $0x0  }
0xa6: {  	s25 =	simm.s32 $0x1B8E;
	s24 =	sld [smem:$0x3FFE];
	[sflag:s23] =	ssyncadd.s32 $0xFFFFFFFF  }
0xa7: {  	s26 =	simm.s32 $execute0_lowered;
	[smem:$0x3FD2] =	sst s25  }
0xa8: {  	s7 =	sshll.u32 s26, $0x1;
	_ =	strace $0x80000046;
	[dreg:$0x1] =	wrdreg $0xFFFFFFFF  }
0xa9: {  	s28 =	simm.s32 $_size_execute0_lowered;
	s5 =	sadd.s32 s5, s7;
	[dreg:$0x0] =	wrdreg $0x0  }
0xaa: {  	s7 =	sshll.u32 s28, $0x1;
	[dreg:$0x2] =	wrdreg s5  }
0xab: {  	[dreg:$0x3] =	wrdreg s7  }
0xac: {  	[dreg:$0x4] =	wrdreg $0xC0  }
0xad: {  	_ =	task [dreg:s9], $0x5FFFF  }
0xae: {  	[dreg:$0x1] =	wrdreg $0xFFFFFFFF  }
0xaf: {  	[dreg:$0x0] =	wrdreg $0x60  }
0xb0: {  	[dreg:$0x2] =	wrdreg s2  }
0xb1: {  	[dreg:$0x3] =	wrdreg s18  }
0xb2: {  	[dreg:$0x4] =	wrdreg s24  }
0xb3: {  	[dreg:$0x5] =	wrdreg s4  }
0xb4: {  	[dreg:$0x6] =	wrdreg $0x0  }
0xb5: {  	[dreg:$0x7] =	wrdreg $0x8000  }
0xb6: {  	[dreg:$0x8] =	wrdreg $0x9  }
0xb7: {  	_ =	task.clear_ibuf [dreg:s9], $0x9FFFF;
	_ =	strace $0x90000046  }
0xb8: {  	s29 =	simm.s32 $0x9;
	_ =	strace $0x80000048  }
0xb9: {  	_ =	swait.ge [sflag:s29], $0x1  }
0xba: {  	[sflag:s29] =	ssyncadd.s32 $0xFFFFFFFF  }
0xbb: {  	_ =	strace $0x90000048  }
0xbc: {  	_ =	sfence  }
0xbd: {  	s30 =	sld [smem:$0x0];
	_ =	sdelay $0x2  }
0xbe: {  	s31 =	sshll.u32 s1, $0xD;
	s1 =	sshrl.u32 s1, $0x2  }
0xbf: {  	s3 =	sand.u32 $0x4000, s31;
	s1 =	sadd.s32 s1, s30  }
0xc0: {  	s0 =	sor.u32 s3, s0;
	s1 =	sshll.u32 s1, $0x11  }
0xc1: {  	s0 =	sor.u32 s1, s0  }
0xc2: {  	s0 =	sadd.s32 $0x8F2B, s0  }
0xc3: {  	[sflag:s0] =	ssyncadd.remote.s32 $0x1  }
0xc4: {  	_ =	sfence.sel $0xFFFF  }
0xc5: {  	[dreg:$0x0] =	wrdreg $0xFFFFFFFF;
	(pc) =	sbr.abs _section_cstart, $3  }
0xc6: {  	[dreg:$0x1] =	wrdreg $0xFFFFFFFF  }
0xc7: {  	_ =	task.clear_ibuf [dreg:s9], $0x2FFFF;
	_ =	strace $0x9FFFFFFF  }
0xc8: {  	(tm) =	ssettm $0x7FFFFFFF  }
0xc9: {  	_ =	shalt  }
tec
execute0_lowered:
.L_overlay_start_1:
0x0: {  	(tag) =	ssettag $0x1  }
0x1: {  	s0 =	rddreg [dreg:$0x2]  }
0x2: {  	s1 =	rddreg [dreg:$0x3];
	s2 =	srdreg.scid  }
0x3: {  	s7 =	stileid.u32;
	s3 =	rddreg [dreg:$0x4]  }
0x4: {  	s4 =	rddreg [dreg:$0x5];
	s28 =	simm.s32 $0x5978;
	s30 =	simm.s32 $0x3  }
0x5: {  	s13 =	simm.s32 $0x9;
	s14 =	simm.s32 $0xD;
	s15 =	simm.s32 $0xA  }
0x6: {  	s2 =	sand.u32 $0x1, s2;
	s5 =	sshll.u32 s7, $0x1;
	s22 =	smul.u32 $0x4E200, s7  }
0x7: {  	s6 =	sor.u32 s2, s5;
	s9 =	ssub.s32 $0x2, s2;
	s2 =	smul.u32 $0x27100, s2  }
0x8: {  	s16 =	simm.s32 $0xE;
	p0 =	sne.s32 s7, $0x0;
	s8 =	smul.u32 $0x2710, s6  }
0x9: {  	s7 =	simm.s32 $0x5;
	s5 =	simm.s32 $0x0;
	s10 =	smul.u32 $0x138800, s6  }
0xa: {  	[smem:$0x7FF] =	sst s5;
	s11 =	sshrl.u32 s9, $0x1;
	s12 =	smul.u32 $0x27100, s6  }
0xb: {  	_ =	strace $0x80000047;
	s9 =	ssub.s32 s9, s11;
	s11 =	simm.s32 $0xF978  }
0xc: {  	s8 =	sshrl.u32 s8, $0x3;
	s10 =	sshrl.u32 s10, $0x3;
	s6 =	sadd.s32 s1, s12  }
0xd: {  	s31 =	smax.u32 s9, $0x1;
	s9 =	simm.s32 $0x7;
	[dreg:$0x8] =	wrdreg s6  }
0xe: {  	s0 =	sadd.s32 s0, s8;
	s17 =	sadd.s32 s1, s10;
	[dreg:$0x12] =	wrdreg s31  }
0xf: {  	s12 =	simm.s32 $0x8;
	[dreg:$0x7] =	wrdreg s0;
	s18 =	sadd.s32 $0x500, s17  }
0x10: {  	s1 =	sadd.s32 s22, s1;
	s19 =	sadd.s32 $0x24900, s17;
	[dreg:$0x9] =	wrdreg s18  }
0x11: {  	s22 =	simm.s32 $0x50;
	s20 =	sadd.s32 $0x24E00, s17;
	[dreg:$0xa] =	wrdreg s19  }
0x12: {  	s8 =	simm.s32 $0xD178;
	s21 =	sadd.s32 $0x25300, s17;
	[dreg:$0xb] =	wrdreg s20  }
0x13: {  	s10 =	simm.s32 $0x6;
	s23 =	sadd.s32 $0x25800, s17;
	[dreg:$0xc] =	wrdreg s21  }
0x14: {  	s6 =	simm.s32 $0x0;
	s24 =	sadd.s32 $0x25D00, s17;
	[dreg:$0xd] =	wrdreg s23  }
0x15: {  	s25 =	sadd.s32 $0x26200, s17;
	s26 =	sadd.s32 $0x26700, s17;
	[dreg:$0xe] =	wrdreg s24  }
0x16: {  	s0 =	sadd.s32 $0x26C00, s17;
	s29 =	sadd.s32 s2, s1;
	[dreg:$0xf] =	wrdreg s25  }
0x17: {  	s1 =	simm.s32 $0x2;
	s2 =	simm.s32 $0x4;
	[dreg:$0x10] =	wrdreg s26  }
0x18: {  	s17 =	simm.s32 $0xB;
	[dreg:$0x11] =	wrdreg s0;
	s0 =	sadd.s32 $0xF00, s29  }
0x19: {  	s21 =	simm.s32 $0xC;
	s25 =	simm.s32 $0x8178;
	s23 =	simm.s32 $0xA978  }
0x1a: {  	s24 =	simm.s32 $0xF;
	[dreg:$0x15] =	wrdreg s0;
	s0 =	sshrl.u32 @!p0 s3, $0x3  }
0x1b: {  	s19 =	simm.s32 $0x10;
	[dreg:$0x13] =	wrdreg s0;
	s0 =	sshrl.u32 @!p0 s4, $0x3  }
0x1c: {  	s18 =	simm.s32 $0x3338;
	s26 =	simm.s32 $0x3388;
	[dreg:$0x14] =	wrdreg s0  }
.LBB2_1:
0x1d: {  	[dreg:$0x16] =	wrdreg s6  }
0x1e: {  	s6 =	rddreg [dreg:$0x7]  }
0x1f: {  	s20 =	simm.s32 @p0 $0x0;
	s29 =	simm.s32 @p0 $0xA78;
	s0 =	rddreg [dreg:$0x0]  }
0x20: {  	[tilespmem:s29], [sflag:$0xC] =	stream.linear.gather @p0 [hbm4b:s6+s20], $0x2710, $0x38;
	[tilespmem:$0x12178] =	vst v63  }
0x21: {  	s20 =	simm.s32 @!p0 $0x1C01;
	s29 =	rddreg [dreg:$0x13]  }
0x22: {  	[spmem:s29], [sflag:s20] =	dma.local @!p0 [hbm:s0], $0x1000  }
0x23: {  	s0 =	rddreg [dreg:$0x1]  }
0x24: {  	s29 =	rddreg [dreg:$0x14]  }
0x25: {  	[spmem:s29], [sflag:s20] =	dma.local @!p0 [hbm:s0], $0x4F0  }
0x26: {  	s20 =	simm.s32 @!p0 $0x0;
	s29 =	simm.s32 @!p0 $0xA78  }
0x27: {  	[tilespmem:s29], [sflag:$0xC] =	stream.linear.gather @!p0 [hbm4b:s6+s20], $0x2710, $0x38;
	[tilespmem:$0x12178] =	vst v63  }
0x28: {  	s20 =	simm.s32 @!p0 $0x1  }
0x29: {  	_ =	swait.ge @!p0 [sflag:s20], $0x1000  }
0x2a: {  	[sflag:s20] =	ssyncset.done @!p0 $0x0  }
0x2b: {  	[sflag:s20] =	ssyncadd.s32 @!p0 $0xFFFFF000  }
0x2c: {  	_ =	swait.ge @!p0 [sflag:s20], $0x4F0  }
0x2d: {  	[sflag:s20] =	ssyncset.done @!p0 $0x0  }
0x2e: {  	[sflag:s20] =	ssyncadd.s32 @!p0 $0xFFFFFB10  }
0x2f: {  	_ =	swait.ge [sflag:s21], $0x2710  }
0x30: {  	[sflag:s21] =	ssyncset.done $0x0  }
0x31: {  	[sflag:s21] =	ssyncadd.s32 $0xFFFFD8F0  }
0x32: {  	s6 =	simm.s32 $0x31F8;
	s20 =	simm.s32 $0xA78;
	[bflag:$0x0] =	sbarrier.arrive $0xFFFF  }
0x33: {  	[tilespmem:s6], [sflag:$0x2] =	stream.indirect.gather [spmem:s4], $0x1, s20, s22, $0xb8;
	[tilespmem:$0x12178] =	vst v63  }
0x34: {  	s0 =	simm.s32 $0xAC8;
	s20 =	simm.s32 $0x3248  }
0x35: {  	[tilespmem:s20], [sflag:$0x3] =	stream.indirect.gather [spmem:s4], $0x1, s0, s22, $0xb8;
	[tilespmem:$0x12178] =	vst v63  }
0x36: {  	s29 =	simm.s32 $0x3298;
	s0 =	simm.s32 $0xB18  }
0x37: {  	[tilespmem:s29], [sflag:$0x4] =	stream.indirect.gather [spmem:s4], $0x1, s0, s22, $0xb8;
	[tilespmem:$0x12178] =	vst v63  }
0x38: {  	s31 =	simm.s32 $0x32E8;
	s0 =	simm.s32 $0xB68  }
0x39: {  	[tilespmem:s31], [sflag:$0x5] =	stream.indirect.gather [spmem:s4], $0x1, s0, s22, $0xb8;
	[tilespmem:$0x12178] =	vst v63  }
0x3a: {  	s0 =	simm.s32 $0xBB8  }
0x3b: {  	[tilespmem:s18], [sflag:$0x6] =	stream.indirect.gather [spmem:s4], $0x1, s0, s22, $0xb8;
	[tilespmem:$0x12178] =	vst v63  }
0x3c: {  	_ =	swait.ge [sflag:s1], $0x50  }
0x3d: {  	[sflag:s1] =	ssyncset.done $0x0  }
0x3e: {  	s0 =	simm.s32 $0xC08;
	[sflag:s1] =	ssyncadd.s32 $0xFFFFFFB0  }
0x3f: {  	[tilespmem:s26], [sflag:$0x2] =	stream.indirect.gather [spmem:s4], $0x1, s0, s22, $0xb8;
	[tilespmem:$0x12178] =	vst v63  }
0x40: {  	_ = 	snop  }
0x41: {  	[tilespmem:s28], [sflag:$0x7] =	stream.indirect.gather [spmem:s3], $0x80, s6, s22, $0xb8;
	[tilespmem:$0x12178] =	vst v63  }
0x42: {  	_ =	swait.ge [sflag:s30], $0x50  }
0x43: {  	[sflag:s30] =	ssyncset.done $0x0  }
0x44: {  	s0 =	simm.s32 $0xC58;
	s6 =	simm.s32 $0x33D8;
	[sflag:s30] =	ssyncadd.s32 $0xFFFFFFB0  }
0x45: {  	[tilespmem:s6], [sflag:$0x3] =	stream.indirect.gather [spmem:s4], $0x1, s0, s22, $0xb8;
	[tilespmem:$0x12178] =	vst v63  }
0x46: {  	_ = 	snop  }
0x47: {  	[tilespmem:s25], [sflag:$0x8] =	stream.indirect.gather [spmem:s3], $0x80, s20, s22, $0xb8;
	[tilespmem:$0x12178] =	vst v63  }
0x48: {  	_ =	swait.ge [sflag:s2], $0x50  }
0x49: {  	[sflag:s2] =	ssyncset.done $0x0  }
0x4a: {  	s6 =	simm.s32 $0xCA8;
	s20 =	simm.s32 $0x3428;
	[sflag:s2] =	ssyncadd.s32 $0xFFFFFFB0  }
0x4b: {  	[tilespmem:s20], [sflag:$0x4] =	stream.indirect.gather [spmem:s4], $0x1, s6, s22, $0xb8;
	[tilespmem:$0x12178] =	vst v63  }
0x4c: {  	_ = 	snop  }
0x4d: {  	[tilespmem:s23], [sflag:$0x9] =	stream.indirect.gather [spmem:s3], $0x80, s29, s22, $0xb8;
	[tilespmem:$0x12178] =	vst v63  }
0x4e: {  	_ =	swait.ge [sflag:s7], $0x50  }
0x4f: {  	[sflag:s7] =	ssyncset.done $0x0  }
0x50: {  	s6 =	simm.s32 $0xCF8;
	s20 =	simm.s32 $0x3478;
	[sflag:s7] =	ssyncadd.s32 $0xFFFFFFB0  }
0x51: {  	[tilespmem:s20], [sflag:$0x5] =	stream.indirect.gather [spmem:s4], $0x1, s6, s22, $0xb8;
	[tilespmem:$0x12178] =	vst v63  }
0x52: {  	_ = 	snop  }
0x53: {  	[tilespmem:s8], [sflag:$0xA] =	stream.indirect.gather [spmem:s3], $0x80, s31, s22, $0xb8;
	[tilespmem:$0x12178] =	vst v63  }
0x54: {  	_ =	swait.ge [sflag:s9], $0x2800  }
0x55: {  	[sflag:s9] =	ssyncset.done $0x0  }
0x56: {  	s20 =	rddreg [dreg:$0x8];
	[sflag:s9] =	ssyncadd.s32 $0xFFFFD800  }
0x57: {  	[hbm4b:s20+s5] =	stream.linear.scatter [tilespmem:s28], [sflag:$0xC], $0x2800, $0x38;
	[tilespmem:$0x12178] =	vst v63  }
0x58: {  	_ =	swait.ge [sflag:s10], $0x50  }
0x59: {  	[sflag:s10] =	ssyncset.done $0x0  }
0x5a: {  	s6 =	simm.s32 $0xD48;
	s20 =	simm.s32 $0x34C8;
	[sflag:s10] =	ssyncadd.s32 $0xFFFFFFB0  }
0x5b: {  	[tilespmem:s20], [sflag:$0x6] =	stream.indirect.gather [spmem:s4], $0x1, s6, s22, $0xb8;
	[tilespmem:$0x12178] =	vst v63  }
0x5c: {  	_ = 	snop  }
0x5d: {  	[tilespmem:s11], [sflag:$0xB] =	stream.indirect.gather [spmem:s3], $0x80, s18, s22, $0xb8;
	[tilespmem:$0x12178] =	vst v63  }
0x5e: {  	_ =	swait.ge [sflag:s12], $0x2800  }
0x5f: {  	[sflag:s12] =	ssyncset.done $0x0  }
0x60: {  	s20 =	rddreg [dreg:$0x9];
	[sflag:s12] =	ssyncadd.s32 $0xFFFFD800  }
0x61: {  	[hbm4b:s20+s5] =	stream.linear.scatter [tilespmem:s25], [sflag:$0xD], $0x2800, $0x38;
	[tilespmem:$0x12178] =	vst v63  }
0x62: {  	_ =	swait.ge [sflag:s1], $0x50  }
0x63: {  	[sflag:s1] =	ssyncset.done $0x0  }
0x64: {  	s29 =	simm.s32 $0xD98;
	s6 =	simm.s32 $0x3518;
	[sflag:s1] =	ssyncadd.s32 $0xFFFFFFB0  }
0x65: {  	[tilespmem:s6], [sflag:$0x2] =	stream.indirect.gather [spmem:s4], $0x1, s29, s22, $0xb8;
	[tilespmem:$0x12178] =	vst v63  }
0x66: {  	_ =	swait.ge [sflag:s21], $0x2800  }
0x67: {  	[sflag:s21] =	ssyncset.done $0x0  }
0x68: {  	s0 =	simm.s32 $0x3388;
	[sflag:s21] =	ssyncadd.s32 $0xFFFFD800  }
0x69: {  	[tilespmem:s28], [sflag:$0x7] =	stream.indirect.gather [spmem:s3], $0x80, s0, s22, $0xb8;
	[tilespmem:$0x12178] =	vst v63  }
0x6a: {  	_ =	swait.ge [sflag:s13], $0x2800  }
0x6b: {  	[sflag:s13] =	ssyncset.done $0x0;
	s0 =	rddreg [dreg:$0x15]  }
0x6c: {  	[sflag:s13] =	ssyncadd.s32 $0xFFFFD800;
	s6 =	sadd.s32 $0xFFFFFB00, s0  }
0x6d: {  	[hbm4b:s6+s5] =	stream.linear.scatter [tilespmem:s23], [sflag:$0xE], $0x2800, $0x38;
	[tilespmem:$0x12178] =	vst v63  }
0x6e: {  	_ =	swait.ge [sflag:s30], $0x50  }
0x6f: {  	[sflag:s30] =	ssyncset.done $0x0  }
0x70: {  	s29 =	simm.s32 $0xDE8;
	s6 =	simm.s32 $0x3568;
	[sflag:s30] =	ssyncadd.s32 $0xFFFFFFB0  }
0x71: {  	[tilespmem:s6], [sflag:$0x3] =	stream.indirect.gather [spmem:s4], $0x1, s29, s22, $0xb8;
	[tilespmem:$0x12178] =	vst v63  }
0x72: {  	_ =	swait.ge [sflag:s14], $0x2800  }
0x73: {  	[sflag:s14] =	ssyncset.done $0x0  }
0x74: {  	s6 =	simm.s32 $0x33D8;
	[sflag:s14] =	ssyncadd.s32 $0xFFFFD800  }
0x75: {  	[tilespmem:s25], [sflag:$0x8] =	stream.indirect.gather [spmem:s3], $0x80, s6, s22, $0xb8;
	[tilespmem:$0x12178] =	vst v63  }
0x76: {  	_ =	swait.ge [sflag:s15], $0x2800  }
0x77: {  	[sflag:s15] =	ssyncset.done $0x0  }
0x78: {  	[sflag:s15] =	ssyncadd.s32 $0xFFFFD800  }
0x79: {  	[hbm4b:s0+s5] =	stream.linear.scatter [tilespmem:s8], [sflag:$0xF], $0x2800, $0x38;
	[tilespmem:$0x12178] =	vst v63  }
0x7a: {  	_ =	swait.ge [sflag:s2], $0x50  }
0x7b: {  	[sflag:s2] =	ssyncset.done $0x0  }
0x7c: {  	s29 =	simm.s32 $0xE38;
	s6 =	simm.s32 $0x35B8;
	[sflag:s2] =	ssyncadd.s32 $0xFFFFFFB0  }
0x7d: {  	[tilespmem:s6], [sflag:$0x4] =	stream.indirect.gather [spmem:s4], $0x1, s29, s22, $0xb8;
	[tilespmem:$0x12178] =	vst v63  }
0x7e: {  	_ =	swait.ge [sflag:s16], $0x2800  }
0x7f: {  	[sflag:s16] =	ssyncset.done $0x0  }
0x80: {  	s6 =	simm.s32 $0x3428;
	[sflag:s16] =	ssyncadd.s32 $0xFFFFD800  }
0x81: {  	[tilespmem:s23], [sflag:$0x9] =	stream.indirect.gather [spmem:s3], $0x80, s6, s22, $0xb8;
	[tilespmem:$0x12178] =	vst v63  }
0x82: {  	_ =	swait.ge [sflag:s17], $0x2800  }
0x83: {  	[sflag:s17] =	ssyncset.done $0x0  }
0x84: {  	s6 =	sadd.s32 $0x500, s0;
	[sflag:s17] =	ssyncadd.s32 $0xFFFFD800  }
0x85: {  	[hbm4b:s6+s5] =	stream.linear.scatter [tilespmem:s11], [sflag:$0x10], $0x2800, $0x38;
	[tilespmem:$0x12178] =	vst v63  }
0x86: {  	_ =	swait.ge [sflag:s7], $0x50  }
0x87: {  	[sflag:s7] =	ssyncset.done $0x0  }
0x88: {  	s29 =	simm.s32 $0xE88;
	s6 =	simm.s32 $0x3608;
	[sflag:s7] =	ssyncadd.s32 $0xFFFFFFB0  }
0x89: {  	[tilespmem:s6], [sflag:$0x5] =	stream.indirect.gather [spmem:s4], $0x1, s29, s22, $0xb8;
	[tilespmem:$0x12178] =	vst v63  }
0x8a: {  	_ =	swait.ge [sflag:s24], $0x2800  }
0x8b: {  	[sflag:s24] =	ssyncset.done $0x0  }
0x8c: {  	s6 =	simm.s32 $0x3478;
	[sflag:s24] =	ssyncadd.s32 $0xFFFFD800  }
0x8d: {  	[tilespmem:s8], [sflag:$0xA] =	stream.indirect.gather [spmem:s3], $0x80, s6, s22, $0xb8;
	[tilespmem:$0x12178] =	vst v63  }
0x8e: {  	_ =	swait.ge [sflag:s9], $0x2800  }
0x8f: {  	[sflag:s9] =	ssyncset.done $0x0  }
0x90: {  	s6 =	sadd.s32 $0xA00, s0;
	[sflag:s9] =	ssyncadd.s32 $0xFFFFD800  }
0x91: {  	[hbm4b:s6+s5] =	stream.linear.scatter [tilespmem:s28], [sflag:$0xC], $0x2800, $0x38;
	[tilespmem:$0x12178] =	vst v63  }
0x92: {  	_ =	swait.ge [sflag:s10], $0x50  }
0x93: {  	[sflag:s10] =	ssyncset.done $0x0  }
0x94: {  	s29 =	simm.s32 $0xED8;
	s6 =	simm.s32 $0x3658;
	[sflag:s10] =	ssyncadd.s32 $0xFFFFFFB0  }
0x95: {  	[tilespmem:s6], [sflag:$0x6] =	stream.indirect.gather [spmem:s4], $0x1, s29, s22, $0xb8;
	[tilespmem:$0x12178] =	vst v63  }
0x96: {  	_ =	swait.ge [sflag:s19], $0x2800  }
0x97: {  	[sflag:s19] =	ssyncset.done $0x0  }
0x98: {  	s6 =	simm.s32 $0x34C8;
	[sflag:s19] =	ssyncadd.s32 $0xFFFFD800  }
0x99: {  	[tilespmem:s11], [sflag:$0xB] =	stream.indirect.gather [spmem:s3], $0x80, s6, s22, $0xb8;
	[tilespmem:$0x12178] =	vst v63  }
0x9a: {  	_ =	swait.ge [sflag:s12], $0x2800  }
0x9b: {  	s20 =	simm.s32 $0x640;
	[sflag:s12] =	ssyncset.done $0x0  }
0x9c: {  	s31 =	sadd.s32 $0xF00, s0;
	s29 =	sadd.s32 $0x1900, s0;
	[sflag:s12] =	ssyncadd.s32 $0xFFFFD800  }
.LBB2_2:
0x9d: {  	[hbm4b:s31+s5] =	stream.linear.scatter [tilespmem:s25], [sflag:$0xD], $0x2800, $0x38;
	[tilespmem:$0x12178] =	vst v63  }
0x9e: {  	s31 =	smov.u32 s20  }
0x9f: {  	p1 =	sne.s32 s20, $0x8980;
	s20 =	sadd.s32 $0x640, s20;
	_ =	swait.ge [sflag:s1], $0x50  }
0xa0: {  	s31 =	sshra.s32 s31, $0x2;
	[sflag:s1] =	ssyncset.done $0x0  }
0xa1: {  	s0 =	sadd.s32 $0x3518, s31;
	s6 =	sadd.s32 $0xD98, s31;
	[sflag:s1] =	ssyncadd.s32 $0xFFFFFFB0  }
0xa2: {  	[tilespmem:s0], [sflag:$0x2] =	stream.indirect.gather [spmem:s4], $0x1, s6, s22, $0xb8;
	[tilespmem:$0x12178] =	vst v63  }
0xa3: {  	_ =	swait.ge [sflag:s21], $0x2800  }
0xa4: {  	[sflag:s21] =	ssyncset.done $0x0  }
0xa5: {  	s0 =	sadd.s32 $0x3388, s31;
	[sflag:s21] =	ssyncadd.s32 $0xFFFFD800  }
0xa6: {  	[tilespmem:s28], [sflag:$0x7] =	stream.indirect.gather [spmem:s3], $0x80, s0, s22, $0xb8;
	[tilespmem:$0x12178] =	vst v63  }
0xa7: {  	_ =	swait.ge [sflag:s13], $0x2800  }
0xa8: {  	[sflag:s13] =	ssyncset.done $0x0  }
0xa9: {  	s0 =	sadd.s32 $0xFFFFFB00, s29;
	[sflag:s13] =	ssyncadd.s32 $0xFFFFD800  }
0xaa: {  	[hbm4b:s0+s5] =	stream.linear.scatter [tilespmem:s23], [sflag:$0xE], $0x2800, $0x38;
	[tilespmem:$0x12178] =	vst v63  }
0xab: {  	_ =	swait.ge [sflag:s30], $0x50  }
0xac: {  	[sflag:s30] =	ssyncset.done $0x0  }
0xad: {  	s6 =	sadd.s32 $0xDE8, s31;
	s0 =	sadd.s32 $0x3568, s31;
	[sflag:s30] =	ssyncadd.s32 $0xFFFFFFB0  }
0xae: {  	[tilespmem:s0], [sflag:$0x3] =	stream.indirect.gather [spmem:s4], $0x1, s6, s22, $0xb8;
	[tilespmem:$0x12178] =	vst v63  }
0xaf: {  	_ =	swait.ge [sflag:s14], $0x2800  }
0xb0: {  	[sflag:s14] =	ssyncset.done $0x0  }
0xb1: {  	s0 =	sadd.s32 $0x33D8, s31;
	[sflag:s14] =	ssyncadd.s32 $0xFFFFD800  }
0xb2: {  	[tilespmem:s25], [sflag:$0x8] =	stream.indirect.gather [spmem:s3], $0x80, s0, s22, $0xb8;
	[tilespmem:$0x12178] =	vst v63  }
0xb3: {  	_ =	swait.ge [sflag:s15], $0x2800  }
0xb4: {  	[sflag:s15] =	ssyncset.done $0x0  }
0xb5: {  	[sflag:s15] =	ssyncadd.s32 $0xFFFFD800  }
0xb6: {  	[hbm4b:s29+s5] =	stream.linear.scatter [tilespmem:s8], [sflag:$0xF], $0x2800, $0x38;
	[tilespmem:$0x12178] =	vst v63  }
0xb7: {  	_ =	swait.ge [sflag:s2], $0x50  }
0xb8: {  	[sflag:s2] =	ssyncset.done $0x0  }
0xb9: {  	s6 =	sadd.s32 $0xE38, s31;
	s0 =	sadd.s32 $0x35B8, s31;
	[sflag:s2] =	ssyncadd.s32 $0xFFFFFFB0  }
0xba: {  	[tilespmem:s0], [sflag:$0x4] =	stream.indirect.gather [spmem:s4], $0x1, s6, s22, $0xb8;
	[tilespmem:$0x12178] =	vst v63  }
0xbb: {  	_ =	swait.ge [sflag:s16], $0x2800  }
0xbc: {  	[sflag:s16] =	ssyncset.done $0x0  }
0xbd: {  	s0 =	sadd.s32 $0x3428, s31;
	[sflag:s16] =	ssyncadd.s32 $0xFFFFD800  }
0xbe: {  	[tilespmem:s23], [sflag:$0x9] =	stream.indirect.gather [spmem:s3], $0x80, s0, s22, $0xb8;
	[tilespmem:$0x12178] =	vst v63  }
0xbf: {  	_ =	swait.ge [sflag:s17], $0x2800  }
0xc0: {  	[sflag:s17] =	ssyncset.done $0x0  }
0xc1: {  	s0 =	sadd.s32 $0x500, s29;
	[sflag:s17] =	ssyncadd.s32 $0xFFFFD800  }
0xc2: {  	[hbm4b:s0+s5] =	stream.linear.scatter [tilespmem:s11], [sflag:$0x10], $0x2800, $0x38;
	[tilespmem:$0x12178] =	vst v63  }
0xc3: {  	_ =	swait.ge [sflag:s7], $0x50  }
0xc4: {  	[sflag:s7] =	ssyncset.done $0x0  }
0xc5: {  	s6 =	sadd.s32 $0xE88, s31;
	s0 =	sadd.s32 $0x3608, s31;
	[sflag:s7] =	ssyncadd.s32 $0xFFFFFFB0  }
0xc6: {  	[tilespmem:s0], [sflag:$0x5] =	stream.indirect.gather [spmem:s4], $0x1, s6, s22, $0xb8;
	[tilespmem:$0x12178] =	vst v63  }
0xc7: {  	_ =	swait.ge [sflag:s24], $0x2800  }
0xc8: {  	[sflag:s24] =	ssyncset.done $0x0  }
0xc9: {  	s0 =	sadd.s32 $0x3478, s31;
	[sflag:s24] =	ssyncadd.s32 $0xFFFFD800  }
0xca: {  	[tilespmem:s8], [sflag:$0xA] =	stream.indirect.gather [spmem:s3], $0x80, s0, s22, $0xb8;
	[tilespmem:$0x12178] =	vst v63  }
0xcb: {  	_ =	swait.ge [sflag:s9], $0x2800  }
0xcc: {  	[sflag:s9] =	ssyncset.done $0x0  }
0xcd: {  	s0 =	sadd.s32 $0xA00, s29;
	[sflag:s9] =	ssyncadd.s32 $0xFFFFD800  }
0xce: {  	[hbm4b:s0+s5] =	stream.linear.scatter [tilespmem:s28], [sflag:$0xC], $0x2800, $0x38;
	[tilespmem:$0x12178] =	vst v63  }
0xcf: {  	_ =	swait.ge [sflag:s10], $0x50  }
0xd0: {  	[sflag:s10] =	ssyncset.done $0x0  }
0xd1: {  	s6 =	sadd.s32 $0xED8, s31;
	s0 =	sadd.s32 $0x3658, s31;
	[sflag:s10] =	ssyncadd.s32 $0xFFFFFFB0  }
0xd2: {  	[tilespmem:s0], [sflag:$0x6] =	stream.indirect.gather [spmem:s4], $0x1, s6, s22, $0xb8;
	[tilespmem:$0x12178] =	vst v63  }
0xd3: {  	_ =	swait.ge [sflag:s19], $0x2800  }
0xd4: {  	[sflag:s19] =	ssyncset.done $0x0  }
.Ltmp0:
0xd5: {  	s0 =	sadd.s32 $0x34C8, s31;
	[sflag:s19] =	ssyncadd.s32 $0xFFFFD800;
	(pc) =	sbr.rel @p1 .LBB2_2-.Ltmp0, $4  }
0xd6: {  	[tilespmem:s11], [sflag:$0xB] =	stream.indirect.gather [spmem:s3], $0x80, s0, s22, $0xb8;
	[tilespmem:$0x12178] =	vst v63  }
0xd7: {  	_ =	swait.ge [sflag:s12], $0x2800  }
0xd8: {  	[sflag:s12] =	ssyncset.done $0x0  }
0xd9: {  	s31 =	sadd.s32 $0xF00, s29;
	s29 =	sadd.s32 $0x1900, s29;
	[sflag:s12] =	ssyncadd.s32 $0xFFFFD800  }
0xda: {  	[hbm4b:s31+s5] =	stream.linear.scatter [tilespmem:s25], [sflag:$0xD], $0x2800, $0x38;
	[tilespmem:$0x12178] =	vst v63  }
0xdb: {  	_ =	swait.ge [sflag:s1], $0x50  }
0xdc: {  	[sflag:s1] =	ssyncset.done $0x0  }
0xdd: {  	[sflag:s1] =	ssyncadd.s32 $0xFFFFFFB0  }
0xde: {  	_ =	swait.ge [sflag:s21], $0x2800  }
0xdf: {  	[sflag:s21] =	ssyncset.done $0x0  }
0xe0: {  	s0 =	simm.s32 $0x5778;
	[sflag:s21] =	ssyncadd.s32 $0xFFFFD800  }
0xe1: {  	[tilespmem:s28], [sflag:$0x7] =	stream.indirect.gather [spmem:s3], $0x80, s0, s22, $0xb8;
	[tilespmem:$0x12178] =	vst v63  }
0xe2: {  	_ =	swait.ge [sflag:s13], $0x2800  }
0xe3: {  	[sflag:s13] =	ssyncset.done $0x0  }
0xe4: {  	s31 =	rddreg [dreg:$0xa];
	[sflag:s13] =	ssyncadd.s32 $0xFFFFD800  }
0xe5: {  	[hbm4b:s31+s5] =	stream.linear.scatter [tilespmem:s23], [sflag:$0xE], $0x2800, $0x38;
	[tilespmem:$0x12178] =	vst v63  }
0xe6: {  	_ =	swait.ge [sflag:s30], $0x50  }
0xe7: {  	[sflag:s30] =	ssyncset.done $0x0  }
0xe8: {  	[sflag:s30] =	ssyncadd.s32 $0xFFFFFFB0  }
0xe9: {  	_ =	swait.ge [sflag:s14], $0x2800  }
0xea: {  	[sflag:s14] =	ssyncset.done $0x0  }
0xeb: {  	s6 =	simm.s32 $0x57C8;
	[sflag:s14] =	ssyncadd.s32 $0xFFFFD800  }
0xec: {  	[tilespmem:s25], [sflag:$0x8] =	stream.indirect.gather [spmem:s3], $0x80, s6, s22, $0xb8;
	[tilespmem:$0x12178] =	vst v63  }
0xed: {  	_ =	swait.ge [sflag:s15], $0x2800  }
0xee: {  	[sflag:s15] =	ssyncset.done $0x0  }
0xef: {  	s20 =	rddreg [dreg:$0xb];
	[sflag:s15] =	ssyncadd.s32 $0xFFFFD800  }
0xf0: {  	[hbm4b:s20+s5] =	stream.linear.scatter [tilespmem:s8], [sflag:$0xF], $0x2800, $0x38;
	[tilespmem:$0x12178] =	vst v63  }
0xf1: {  	_ =	swait.ge [sflag:s2], $0x50  }
0xf2: {  	[sflag:s2] =	ssyncset.done $0x0  }
0xf3: {  	[sflag:s2] =	ssyncadd.s32 $0xFFFFFFB0  }
0xf4: {  	_ =	swait.ge [sflag:s16], $0x2800  }
0xf5: {  	[sflag:s16] =	ssyncset.done $0x0  }
0xf6: {  	s29 =	simm.s32 $0x5818;
	[sflag:s16] =	ssyncadd.s32 $0xFFFFD800  }
0xf7: {  	[tilespmem:s23], [sflag:$0x9] =	stream.indirect.gather [spmem:s3], $0x80, s29, s22, $0xb8;
	[tilespmem:$0x12178] =	vst v63  }
0xf8: {  	_ =	swait.ge [sflag:s17], $0x2800  }
0xf9: {  	[sflag:s17] =	ssyncset.done $0x0  }
0xfa: {  	s31 =	rddreg [dreg:$0xc];
	[sflag:s17] =	ssyncadd.s32 $0xFFFFD800  }
0xfb: {  	[hbm4b:s31+s5] =	stream.linear.scatter [tilespmem:s11], [sflag:$0x10], $0x2800, $0x38;
	[tilespmem:$0x12178] =	vst v63  }
0xfc: {  	_ =	swait.ge [sflag:s7], $0x50  }
0xfd: {  	[sflag:s7] =	ssyncset.done $0x0  }
0xfe: {  	[sflag:s7] =	ssyncadd.s32 $0xFFFFFFB0  }
0xff: {  	_ =	swait.ge [sflag:s24], $0x2800  }
0x100: {  	[sflag:s24] =	ssyncset.done $0x0  }
0x101: {  	s6 =	simm.s32 $0x5868;
	[sflag:s24] =	ssyncadd.s32 $0xFFFFD800  }
0x102: {  	[tilespmem:s8], [sflag:$0xA] =	stream.indirect.gather [spmem:s3], $0x80, s6, s22, $0xb8;
	[tilespmem:$0x12178] =	vst v63  }
0x103: {  	_ =	swait.ge [sflag:s9], $0x2800  }
0x104: {  	[sflag:s9] =	ssyncset.done $0x0  }
0x105: {  	s20 =	rddreg [dreg:$0xd];
	[sflag:s9] =	ssyncadd.s32 $0xFFFFD800  }
0x106: {  	[hbm4b:s20+s5] =	stream.linear.scatter [tilespmem:s28], [sflag:$0xC], $0x2800, $0x38;
	[tilespmem:$0x12178] =	vst v63  }
0x107: {  	_ =	swait.ge [sflag:s10], $0x50  }
0x108: {  	[sflag:s10] =	ssyncset.done $0x0  }
0x109: {  	[sflag:s10] =	ssyncadd.s32 $0xFFFFFFB0  }
0x10a: {  	_ =	swait.ge [sflag:s19], $0x2800  }
0x10b: {  	[sflag:s19] =	ssyncset.done $0x0  }
0x10c: {  	s29 =	simm.s32 $0x58B8;
	[sflag:s19] =	ssyncadd.s32 $0xFFFFD800  }
0x10d: {  	[tilespmem:s11], [sflag:$0xB] =	stream.indirect.gather [spmem:s3], $0x80, s29, s22, $0xb8;
	[tilespmem:$0x12178] =	vst v63  }
0x10e: {  	_ =	swait.ge [sflag:s12], $0x2800  }
0x10f: {  	[sflag:s12] =	ssyncset.done $0x0  }
0x110: {  	s31 =	rddreg [dreg:$0xe];
	[sflag:s12] =	ssyncadd.s32 $0xFFFFD800  }
0x111: {  	[hbm4b:s31+s5] =	stream.linear.scatter [tilespmem:s25], [sflag:$0xD], $0x2800, $0x38;
	[tilespmem:$0x12178] =	vst v63  }
0x112: {  	_ =	swait.ge [sflag:s13], $0x2800  }
0x113: {  	[sflag:s13] =	ssyncset.done $0x0  }
0x114: {  	s6 =	rddreg [dreg:$0xf];
	[sflag:s13] =	ssyncadd.s32 $0xFFFFD800  }
0x115: {  	[hbm4b:s6+s5] =	stream.linear.scatter [tilespmem:s23], [sflag:$0xE], $0x2800, $0x38;
	[tilespmem:$0x12178] =	vst v63  }
0x116: {  	_ =	swait.ge [sflag:s15], $0x2800  }
0x117: {  	[sflag:s15] =	ssyncset.done $0x0  }
0x118: {  	s20 =	rddreg [dreg:$0x10];
	[sflag:s15] =	ssyncadd.s32 $0xFFFFD800  }
0x119: {  	[hbm4b:s20+s5] =	stream.linear.scatter [tilespmem:s8], [sflag:$0xF], $0x2800, $0x38;
	[tilespmem:$0x12178] =	vst v63  }
0x11a: {  	_ =	swait.ge [sflag:s17], $0x2800  }
0x11b: {  	[sflag:s17] =	ssyncset.done $0x0  }
0x11c: {  	s29 =	rddreg [dreg:$0x11];
	[sflag:s17] =	ssyncadd.s32 $0xFFFFD800  }
0x11d: {  	[hbm4b:s29+s5] =	stream.linear.scatter [tilespmem:s11], [sflag:$0x10], $0x2800, $0x38;
	[tilespmem:$0x12178] =	vst v63  }
0x11e: {  	_ =	swait.ge [sflag:s21], $0x2800  }
0x11f: {  	[sflag:s21] =	ssyncset.done $0x0  }
0x120: {  	[sflag:s21] =	ssyncadd.s32 $0xFFFFD800  }
0x121: {  	_ =	swait.ge [sflag:s14], $0x2800  }
0x122: {  	[sflag:s14] =	ssyncset.done $0x0  }
0x123: {  	[sflag:s14] =	ssyncadd.s32 $0xFFFFD800  }
0x124: {  	_ =	swait.ge [sflag:s16], $0x2800  }
0x125: {  	[sflag:s16] =	ssyncset.done $0x0  }
0x126: {  	[sflag:s16] =	ssyncadd.s32 $0xFFFFD800  }
0x127: {  	_ =	swait.ge [sflag:s24], $0x2800  }
0x128: {  	[sflag:s24] =	ssyncset.done $0x0  }
0x129: {  	[sflag:s24] =	ssyncadd.s32 $0xFFFFD800  }
0x12a: {  	_ =	swait.ge [sflag:s19], $0x2800  }
0x12b: {  	s6 =	rddreg [dreg:$0x16]  }
0x12c: {  	s31 =	rddreg [dreg:$0x12];
	s6 =	sadd.s32 $0x1, s6  }
0x12d: {  	p1 =	sne.s32 s6, s31  }
.Ltmp1:
0x12e: {  	_ = 	snop;
	(pc) =	sbr.rel @p1 .LBB2_1-.Ltmp1, $3  }
0x12f: {  	_ =	sdelay $0x1  }
0x130: {  	[sflag:s19] =	ssyncset.done $0x0  }
0x131: {  	[sflag:s19] =	ssyncadd.s32 $0xFFFFD800  }
0x132: {  	_ =	sfence.sel $0x180000  }
0x133: {  	[bflag:$0x0] =	sbarrier.arrive $0xFFFF  }
0x134: {  	_ =	strace $0x90000047  }
0x135: {  	[bflag:$0x2] =	sbarrier.arrive $0xFFFF  }
0x136: {  	s0 =	rddreg [dreg:$0x6]  }
0x137: {  	s0 =	sadd.s32 @!p0 $0x100000, s0  }
0x138: {  	[sflag:s0] =	ssyncadd.tile.s32 @!p0 $0x1;
	_ =	shalt  }
.Lfunc_end2:
_tile_overlayer_lowered:
.L_overlay_start_2:
0x139: {  	(tag) =	ssettag $0x2  }
0x13a: {  	s0 =	rddreg [dreg:$0x0];
	s2 =	stileid.u32  }
0x13b: {  	s1 =	rddreg [dreg:$0x1];
	p0 =	sne.s32 s2, $0x0  }
0x13c: {  	s3 =	rddreg [dreg:$0x2];
	[bflag:$0x3] =	sbarrier.arrive $0xFFFF;
	s2 =	simm.s32 @!p0 $0x1C11  }
0x13d: {  	[timem:s3], [sflag:s2] =	dma.local @!p0 [hbm:s0], s1  }
0x13e: {  	s0 =	simm.s32 @!p0 $0x11  }
0x13f: {  	_ =	swait.ge @!p0 [sflag:s0], s1  }
0x140: {  	s1 =	ssub.s32 @!p0 $0x0, s1;
	[sflag:s0] =	ssyncset.done @!p0 $0x0  }
0x141: {  	[sflag:s0] =	ssyncadd.s32 @!p0 s1  }
0x142: {  	[bflag:$0x3] =	sbarrier.arrive $0xFFFF  }
0x143: {  	_ =	shalt  }

</sc_bundles>
